<compile_context>
chip_gen: v7x
topology: tpu7x:2x2x1
jax: 0.10.2.dev20260603
libtpu: 0.0.44.dev20260713+nightly
codegen_flags: <defaults>
</compile_context>

<pallas_src>
import functools

import jax
import jax.numpy as jnp
from jax import lax
from jax.experimental import pallas as pl
from jax.experimental.pallas import tpu as pltpu
from jax.experimental.pallas import tpu_sc as plsc

BS = 4
N = 10000
E = 160000
D_IN = 128
TYPE_NUM = 16
HID = 64

NPAD = 10240
NW = 32
ROWS_PW = 40
EPW = ROWS_PW * 128
EPAD = NW * EPW
ZPW = NPAD // 16
BN = 2048
NB = 5


def _sc_hist_body(edge3, nvec_hbm, deg_out, cnt_out,
                  src2d, dst2d, ones2d, vmask2d, zero_v, nvec_v,
                  sh_deg, sh_cnt):
    c = lax.axis_index("c")
    s = lax.axis_index("s")
    wid = c * 16 + s
    f32 = jnp.float32

    def zbody(t, carry):
        zero_v[pl.ds(t * 16, 16)] = jnp.zeros((16,), f32)
        return carry
    lax.fori_loop(0, ZPW // 16, zbody, None)
    pltpu.sync_copy(zero_v, sh_deg.at[pl.ds(s * ZPW, ZPW)])
    pltpu.sync_copy(zero_v, sh_cnt.at[pl.ds(s * ZPW, ZPW)])

    pltpu.sync_copy(edge3.at[0, pl.ds(wid * ROWS_PW, ROWS_PW)], src2d)
    pltpu.sync_copy(edge3.at[1, pl.ds(wid * ROWS_PW, ROWS_PW)], dst2d)
    pltpu.sync_copy(nvec_hbm, nvec_v)
    nv = nvec_v[...]

    def fbody(t, carry):
        j = t // 8
        k = (t % 8) * 16
        dv = dst2d[j, pl.ds(k, 16)]
        sel = jnp.where(dv == nv, jnp.ones((16,), f32), jnp.zeros((16,), f32))
        ones2d[j, pl.ds(k, 16)] = jnp.ones((16,), f32)
        vmask2d[j, pl.ds(k, 16)] = sel
        return carry
    lax.fori_loop(0, ROWS_PW * 8, fbody, None)

    plsc.subcore_barrier()

    def sbody(j, carry):
        pltpu.sync_copy(ones2d.at[j], sh_deg.at[dst2d.at[j]], add=True)
        pltpu.sync_copy(vmask2d.at[j], sh_cnt.at[src2d.at[j]], add=True)
        return carry
    lax.fori_loop(0, ROWS_PW, sbody, None)

    plsc.subcore_barrier()

    pltpu.sync_copy(sh_deg.at[pl.ds(s * ZPW, ZPW)], deg_out.at[c, pl.ds(s * ZPW, ZPW)])
    pltpu.sync_copy(sh_cnt.at[pl.ds(s * ZPW, ZPW)], cnt_out.at[c, pl.ds(s * ZPW, ZPW)])


@functools.cache
def _sc_hist():
    return functools.partial(
        pl.kernel,
        mesh=plsc.VectorSubcoreMesh(core_axis_name="c", subcore_axis_name="s"),
        out_type=(jax.ShapeDtypeStruct((2, NPAD), jnp.float32),
                  jax.ShapeDtypeStruct((2, NPAD), jnp.float32)),
        scratch_types=[
            pltpu.VMEM((ROWS_PW, 128), jnp.int32),
            pltpu.VMEM((ROWS_PW, 128), jnp.int32),
            pltpu.VMEM((ROWS_PW, 128), jnp.float32),
            pltpu.VMEM((ROWS_PW, 128), jnp.float32),
            pltpu.VMEM((ZPW,), jnp.float32),
            pltpu.VMEM((16,), jnp.int32),
            pltpu.VMEM_SHARED((NPAD,), jnp.float32),
            pltpu.VMEM_SHARED((NPAD,), jnp.float32),
        ],
    )(_sc_hist_body)


def _tc_body(x_r, c_r, wax_r, wac_r, ba_r, degp_r, cntp_r, type_r, nidx_r,
             wg_r, wv_r, bv_r, bg_r, ha_r, val_r, acc_r, sacc_r):
    b = pl.program_id(0)
    i = pl.program_id(1)
    f32 = jnp.float32
    xb = x_r[0]
    nidx = nidx_r[0]

    h = jnp.dot(xb, wax_r[...], preferred_element_type=f32)
    h = h + c_r[0] * wac_r[...] + ba_r[...]
    ha_r[0] = jnp.where(h >= 0, h, 0.01 * h)

    degc = degp_r[0:1, :] + degp_r[1:2, :]
    cnt = cntp_r[0:1, :] + cntp_r[1:2, :]
    w = lax.rsqrt(degc + 1.0) * cnt
    cols = lax.broadcasted_iota(jnp.int32, (1, BN), 1) + i * BN
    ind = jnp.where(cols == nidx, 1.0, 0.0)
    lhs = jnp.concatenate([w, ind], axis=0)
    rows = lax.broadcasted_iota(jnp.int32, (BN, 1), 0) + i * BN
    xbm = jnp.where(rows < N, xb, 0.0)
    part = lax.dot_general(lhs, xbm, (((1,), (0,)), ((), ())),
                           precision=lax.Precision.HIGHEST,
                           preferred_element_type=f32)
    s_part = jnp.sum(w)
    d123_part = jnp.sum(ind * degc)

    @pl.when(i == 0)
    def _init():
        acc_r[...] = jnp.zeros_like(acc_r)
        sacc_r[0] = 0.0
        sacc_r[1] = 0.0

    acc_r[0:2, :] = acc_r[0:2, :] + part
    sacc_r[0] = sacc_r[0] + s_part
    sacc_r[1] = sacc_r[1] + d123_part

    @pl.when(i == NB - 1)
    def _finalize():
        xs = acc_r[0:1, :]
        x123 = acc_r[1:2, :]
        w1 = wg_r[0:TYPE_NUM, :]
        w2 = wg_r[TYPE_NUM:TYPE_NUM + D_IN, :]
        hi = lax.Precision.HIGHEST
        riota = lax.broadcasted_iota(jnp.int32, (TYPE_NUM, 1), 0)
        tp = jnp.sum(jnp.where(riota == type_r[b], w1, 0.0), axis=0,
                     keepdims=True)
        s_val = sacc_r[0]
        dis123 = lax.rsqrt(sacc_r[1] + 1.0)
        xsw = jnp.dot(xs, w2, precision=hi, preferred_element_type=f32)
        x123w = jnp.dot(x123, w2, precision=hi, preferred_element_type=f32)
        out123 = (dis123 * (tp * s_val + xsw)
                  + (dis123 * dis123) * (tp + x123w) + bg_r[...])
        h123 = jnp.where(out123 >= 0, out123, 0.01 * out123)
        val_r[0] = (jnp.dot(h123, wv_r[...], precision=hi,
                            preferred_element_type=f32) + bv_r[...])


def _tc_call(x, cond, wax, wac, ba, deg_p, cnt_p, type_index, nidx, wg, wv, bv, bg):
    return pl.pallas_call(
        _tc_body,
        grid=(BS, NB),
        in_specs=[
            pl.BlockSpec((1, BN, D_IN), lambda b, i: (b, i, 0)),
            pl.BlockSpec((1, BN, 1), lambda b, i: (b, i, 0)),
            pl.BlockSpec((D_IN, HID), lambda b, i: (0, 0)),
            pl.BlockSpec((1, HID), lambda b, i: (0, 0)),
            pl.BlockSpec((1, HID), lambda b, i: (0, 0)),
            pl.BlockSpec((2, BN), lambda b, i: (0, i)),
            pl.BlockSpec((2, BN), lambda b, i: (0, i)),
            pl.BlockSpec(memory_space=pltpu.SMEM),
            pl.BlockSpec(memory_space=pltpu.SMEM),
            pl.BlockSpec((TYPE_NUM + D_IN, HID), lambda b, i: (0, 0)),
            pl.BlockSpec((HID, 1), lambda b, i: (0, 0)),
            pl.BlockSpec((1, 1), lambda b, i: (0, 0)),
            pl.BlockSpec((1, HID), lambda b, i: (0, 0)),
        ],
        out_specs=[
            pl.BlockSpec((1, BN, HID), lambda b, i: (b, i, 0)),
            pl.BlockSpec((1, 1, 1), lambda b, i: (b, 0, 0)),
        ],
        out_shape=[
            jax.ShapeDtypeStruct((BS, N, HID), jnp.float32),
            jax.ShapeDtypeStruct((BS, 1, 1), jnp.float32),
        ],
        scratch_shapes=[
            pltpu.VMEM((8, 128), jnp.float32),
            pltpu.SMEM((2,), jnp.float32),
        ],
    )(x, cond, wax, wac, ba, deg_p, cnt_p, type_index, nidx, wg, wv, bv, bg)


def kernel(x, edge_index, condition_state, node_index, type_index,
           W_gcn, b_gcn, W_actor, b_actor, W_val, b_val):
    nidx = jnp.asarray(node_index, jnp.int32)

    pad = jnp.full((2, EPAD - E), NPAD - 1, jnp.int32)
    edge3 = jnp.concatenate([edge_index.astype(jnp.int32), pad],
                            axis=1).reshape(2, EPAD // 128, 128)
    nvec = jnp.full((16,), nidx, jnp.int32)
    deg_p, cnt_p = _sc_hist()(edge3, nvec)

    wac = W_actor[0:1, :]
    wax = W_actor[1:, :]
    ba = b_actor.reshape(1, HID)
    bg = b_gcn.reshape(1, HID)
    bv = b_val.reshape(1, 1)

    ha, val = _tc_call(x, condition_state, wax, wac, ba, deg_p, cnt_p,
                       type_index.astype(jnp.int32), nidx.reshape(1),
                       W_gcn, W_val, bv, bg)
    return (val.reshape(BS, 1), ha)

# --- scband reference (transcript-rebuilt; emitter-appended) ---
"""Pipeline reference for scband-gnnbase-87789131530402 (READ-ONLY COPY).

The authoritative reference and input builder live on the scoring server;
editing this copy changes nothing except your own understanding.
"""

import jax, jax.numpy as jnp
import numpy as np

BS = 4
N = 10000
E = 160000
D_IN = 128
TYPE_NUM = 16
COND = 1
HID = 64


def setup_inputs(seed: int = 0) -> dict:
    key = jax.random.key(seed)
    ks = jax.random.split(key, 10)
    x = jax.random.normal(ks[0], (BS, N, D_IN), dtype=jnp.float32)
    edge_index = jax.random.randint(ks[1], (2, E), 0, N, dtype=jnp.int32)
    condition_state = jax.random.normal(ks[2], (BS, N, COND), dtype=jnp.float32)
    node_index = 123
    type_index = jax.random.randint(ks[3], (BS,), 0, TYPE_NUM, dtype=jnp.int32)
    s_g = 1.0 / np.sqrt(D_IN + TYPE_NUM)
    W_gcn = jax.random.uniform(ks[4], (D_IN + TYPE_NUM, HID), minval=-s_g, maxval=s_g, dtype=jnp.float32)
    b_gcn = jnp.zeros((HID,), dtype=jnp.float32)
    s_a = 1.0 / np.sqrt(D_IN + COND)
    W_actor = jax.random.uniform(ks[5], (D_IN + COND, HID), minval=-s_a, maxval=s_a, dtype=jnp.float32)
    b_actor = jax.random.uniform(ks[6], (HID,), minval=-s_a, maxval=s_a, dtype=jnp.float32)
    s_v = 1.0 / np.sqrt(HID)
    W_val = jax.random.uniform(ks[7], (HID, 1), minval=-s_v, maxval=s_v, dtype=jnp.float32)
    b_val = jax.random.uniform(ks[8], (1,), minval=-s_v, maxval=s_v, dtype=jnp.float32)
    return {
        'x': x, 'edge_index': edge_index, 'condition_state': condition_state,
        'node_index': node_index, 'type_index': type_index,
        'W_gcn': W_gcn, 'b_gcn': b_gcn, 'W_actor': W_actor, 'b_actor': b_actor,
        'W_val': W_val, 'b_val': b_val,
    }


def leaky_relu(v):
    return jnp.where(v >= 0, v, 0.01 * v)


def gcn_conv(h, src, dst, W, b, num_nodes):
    # PyG GCNConv: x @ W, add self-loops, symmetric normalization, scatter-add, + bias
    hw = h @ W
    loop = jnp.arange(num_nodes, dtype=src.dtype)
    s = jnp.concatenate([src, loop])
    d = jnp.concatenate([dst, loop])
    deg = jnp.zeros((num_nodes,), dtype=hw.dtype).at[d].add(1.0)
    dis = jnp.where(deg > 0, jax.lax.rsqrt(deg), 0.0)
    norm = dis[s] * dis[d]
    msgs = hw[s] * norm[:, None]
    out = jnp.zeros_like(hw).at[d].add(msgs)
    return out + b


def reference(x, edge_index, condition_state, node_index, type_index, W_gcn, b_gcn, W_actor, b_actor, W_val, b_val):
    bs, num_node, _ = x.shape
    type_oh = jax.nn.one_hot(type_index, TYPE_NUM, dtype=x.dtype)
    concat_input_critic = jnp.concatenate(
        [jnp.broadcast_to(type_oh[:, None, :], (bs, num_node, TYPE_NUM)), x], axis=-1)
    src, dst = edge_index[0], edge_index[1]
    # Batch.from_data_list with shared edge_index == independent per-graph conv
    conv = lambda h: gcn_conv(h, src, dst, W_gcn, b_gcn, num_node)
    hidden_critic = leaky_relu(jax.vmap(conv)(concat_input_critic))
    concat_input_actor = jnp.concatenate([condition_state, x], axis=-1)
    hidden_actor = leaky_relu(concat_input_actor @ W_actor + b_actor)
    value = hidden_critic[:, node_index] @ W_val + b_val
    return (value, hidden_actor)

if __name__ == "__main__":
    import jax
    _d = setup_inputs()
    print(jax.jit(kernel)(*tuple(_d.values())))

</pallas_src>

<mosaic_0001>
#map = affine_map<(d0, d1) -> (0, 0, 0)>
#map1 = affine_map<(d0, d1) -> (0)>
#map2 = affine_map<(d0, d1) -> (0, 0)>
module attributes {stable_mosaic.version = 14 : i64} {
  func.func @_sc_hist_body(%arg0: i32, %arg1: i32, %arg2: memref<2x1280x128xi32, #tpu.memory_space<hbm>>, %arg3: memref<16xi32, #tpu.memory_space<hbm>>, %arg4: memref<2x10240xf32, #tpu.memory_space<hbm>>, %arg5: memref<2x10240xf32, #tpu.memory_space<hbm>>, %arg6: memref<40x128xi32, #tpu.memory_space<vmem>>, %arg7: memref<40x128xi32, #tpu.memory_space<vmem>>, %arg8: memref<40x128xf32, #tpu.memory_space<vmem>>, %arg9: memref<40x128xf32, #tpu.memory_space<vmem>>, %arg10: memref<640xf32, #tpu.memory_space<vmem>>, %arg11: memref<16xi32, #tpu.memory_space<vmem>>, %arg12: memref<10240xf32, #tpu.memory_space<vmem_shared>>, %arg13: memref<10240xf32, #tpu.memory_space<vmem_shared>>) attributes {dimension_semantics = [#tpu.dimension_semantics<core_parallel>, #tpu.dimension_semantics<subcore_parallel>], iteration_bounds = array<i64: 2, 16>, scalar_prefetch = 0 : i64, scratch_operands = 8 : i64, tpu.core_type = #tpu.core_type<sc_vector_subcore>, window_params = [{transform_indices = #map}, {transform_indices = #map1}, {transform_indices = #map2}, {transform_indices = #map2}]} {
    %mul3A = arith.constant 16 : i32
    %mul3A_0 = arith.muli %arg0, %mul3A : i32
    %add3A = arith.addi %mul3A_0, %arg1 : i32
    %scan3A = arith.constant 0 : i32
    %scan3A_1 = arith.constant 40 : i32
    %scan3A_2 = arith.addi %scan3A, %scan3A_1 : i32
    %scan3A_3 = arith.constant 1 : i32
    scf.for %scan3A_35 = %scan3A to %scan3A_2 step %scan3A_3  : i32 {
      %broadcast_in_dim3A = arith.constant 0.000000e+00 : f32
      %broadcast_in_dim3A_36 = vector.broadcast %broadcast_in_dim3A : f32 to vector<16xf32>
      %mul3A_37 = arith.constant 16 : i32
      %mul3A_38 = arith.muli %scan3A_35, %mul3A_37 : i32
      %swap3A = arith.index_cast %mul3A_38 : i32 to index
      %swap3A_39 = tpu.vector_load %arg10[%swap3A] {strides = array<i32>} : memref<640xf32, #tpu.memory_space<vmem>>, vector<16xf32>,
      %swap3A_40 = vector.shape_cast %swap3A_39 : vector<16xf32> to vector<16xf32>
      %swap3A_41 = vector.shape_cast %broadcast_in_dim3A_36 : vector<16xf32> to vector<16xf32>
      tpu.vector_store %arg10[%swap3A], %swap3A_41 {strides = array<i32>} : memref<640xf32, #tpu.memory_space<vmem>>, vector<16xf32>,
    }
    %scan3A_4 = arith.constant 40 : i32
    %mul3A_5 = arith.constant 640 : i32
    %mul3A_6 = arith.muli %arg1, %mul3A_5 : i32
    "tpu.region"() ({
      %run_scoped3A_35 = tpu.sem_alloc : memref<!tpu.dma_semaphore, #tpu.memory_space<semaphore_mem>>
      %dma_start3A = tpu.memref_slice %arg12[%mul3A_6] : memref<10240xf32, #tpu.memory_space<vmem_shared>> -> memref<640xf32, #tpu.memory_space<vmem_shared>>
      %dma_start3A_36 = tpu.memref_slice %arg12[%mul3A_6] : memref<10240xf32, #tpu.memory_space<vmem_shared>> -> memref<640xf32, #tpu.memory_space<vmem_shared>>
      tpu.enqueue_dma source(%arg10 : memref<640xf32, #tpu.memory_space<vmem>>) target(%dma_start3A_36 : memref<640xf32, #tpu.memory_space<vmem_shared>>) target_semaphore(%run_scoped3A_35 : memref<!tpu.dma_semaphore, #tpu.memory_space<semaphore_mem>>)
      %dma_wait3A = tpu.memref_slice %arg12[%mul3A_6] : memref<10240xf32, #tpu.memory_space<vmem_shared>> -> memref<640xf32, #tpu.memory_space<vmem_shared>>
      %dma_wait3A_37 = tpu.memref_slice %arg12[%mul3A_6] : memref<10240xf32, #tpu.memory_space<vmem_shared>> -> memref<640xf32, #tpu.memory_space<vmem_shared>>
      tpu.wait_dma2 semaphore(%run_scoped3A_35 : memref<!tpu.dma_semaphore, #tpu.memory_space<semaphore_mem>>) src(%arg10 : memref<640xf32, #tpu.memory_space<vmem>>) dst(%dma_wait3A_37 : memref<640xf32, #tpu.memory_space<vmem_shared>>)
      tpu.yield
    }) : () -> ()
    %mul3A_7 = arith.constant 640 : i32
    %mul3A_8 = arith.muli %arg1, %mul3A_7 : i32
    "tpu.region"() ({
      %run_scoped3A_35 = tpu.sem_alloc : memref<!tpu.dma_semaphore, #tpu.memory_space<semaphore_mem>>
      %dma_start3A = tpu.memref_slice %arg13[%mul3A_8] : memref<10240xf32, #tpu.memory_space<vmem_shared>> -> memref<640xf32, #tpu.memory_space<vmem_shared>>
      %dma_start3A_36 = tpu.memref_slice %arg13[%mul3A_8] : memref<10240xf32, #tpu.memory_space<vmem_shared>> -> memref<640xf32, #tpu.memory_space<vmem_shared>>
      tpu.enqueue_dma source(%arg10 : memref<640xf32, #tpu.memory_space<vmem>>) target(%dma_start3A_36 : memref<640xf32, #tpu.memory_space<vmem_shared>>) target_semaphore(%run_scoped3A_35 : memref<!tpu.dma_semaphore, #tpu.memory_space<semaphore_mem>>)
      %dma_wait3A = tpu.memref_slice %arg13[%mul3A_8] : memref<10240xf32, #tpu.memory_space<vmem_shared>> -> memref<640xf32, #tpu.memory_space<vmem_shared>>
      %dma_wait3A_37 = tpu.memref_slice %arg13[%mul3A_8] : memref<10240xf32, #tpu.memory_space<vmem_shared>> -> memref<640xf32, #tpu.memory_space<vmem_shared>>
      tpu.wait_dma2 semaphore(%run_scoped3A_35 : memref<!tpu.dma_semaphore, #tpu.memory_space<semaphore_mem>>) src(%arg10 : memref<640xf32, #tpu.memory_space<vmem>>) dst(%dma_wait3A_37 : memref<640xf32, #tpu.memory_space<vmem_shared>>)
      tpu.yield
    }) : () -> ()
    %mul3A_9 = arith.constant 40 : i32
    %mul3A_10 = arith.muli %add3A, %mul3A_9 : i32
    %run_scoped3A = arith.constant 0 : i32
    "tpu.region"() ({
      %run_scoped3A_35 = tpu.sem_alloc : memref<!tpu.dma_semaphore, #tpu.memory_space<semaphore_mem>>
      %dma_start3A = arith.constant 0 : i32
      %dma_start3A_36 = tpu.memref_slice %arg2[%run_scoped3A, %mul3A_10, %dma_start3A] : memref<2x1280x128xi32, #tpu.memory_space<hbm>> -> memref<1x40x128xi32, #tpu.memory_space<hbm>>
      %dma_start3A_37 = tpu.memref_squeeze %dma_start3A_36 : memref<1x40x128xi32, #tpu.memory_space<hbm>> -> memref<40x128xi32, #tpu.memory_space<hbm>>
      %dma_start3A_38 = arith.constant 0 : i32
      %dma_start3A_39 = tpu.memref_slice %arg2[%run_scoped3A, %mul3A_10, %dma_start3A_38] : memref<2x1280x128xi32, #tpu.memory_space<hbm>> -> memref<1x40x128xi32, #tpu.memory_space<hbm>>
      %dma_start3A_40 = tpu.memref_squeeze %dma_start3A_39 : memref<1x40x128xi32, #tpu.memory_space<hbm>> -> memref<40x128xi32, #tpu.memory_space<hbm>>
      tpu.enqueue_dma source(%dma_start3A_40 : memref<40x128xi32, #tpu.memory_space<hbm>>) target(%arg6 : memref<40x128xi32, #tpu.memory_space<vmem>>) target_semaphore(%run_scoped3A_35 : memref<!tpu.dma_semaphore, #tpu.memory_space<semaphore_mem>>)
      %dma_wait3A = arith.constant 0 : i32
      %dma_wait3A_41 = tpu.memref_slice %arg2[%run_scoped3A, %mul3A_10, %dma_wait3A] : memref<2x1280x128xi32, #tpu.memory_space<hbm>> -> memref<1x40x128xi32, #tpu.memory_space<hbm>>
      %dma_wait3A_42 = tpu.memref_squeeze %dma_wait3A_41 : memref<1x40x128xi32, #tpu.memory_space<hbm>> -> memref<40x128xi32, #tpu.memory_space<hbm>>
      %dma_wait3A_43 = arith.constant 0 : i32
      %dma_wait3A_44 = tpu.memref_slice %arg2[%run_scoped3A, %mul3A_10, %dma_wait3A_43] : memref<2x1280x128xi32, #tpu.memory_space<hbm>> -> memref<1x40x128xi32, #tpu.memory_space<hbm>>
      %dma_wait3A_45 = tpu.memref_squeeze %dma_wait3A_44 : memref<1x40x128xi32, #tpu.memory_space<hbm>> -> memref<40x128xi32, #tpu.memory_space<hbm>>
      tpu.wait_dma2 semaphore(%run_scoped3A_35 : memref<!tpu.dma_semaphore, #tpu.memory_space<semaphore_mem>>) src(%dma_wait3A_45 : memref<40x128xi32, #tpu.memory_space<hbm>>) dst(%arg6 : memref<40x128xi32, #tpu.memory_space<vmem>>)
      tpu.yield
    }) : () -> ()
    %mul3A_11 = arith.constant 40 : i32
    %mul3A_12 = arith.muli %add3A, %mul3A_11 : i32
    %run_scoped3A_13 = arith.constant 1 : i32
    "tpu.region"() ({
      %run_scoped3A_35 = tpu.sem_alloc : memref<!tpu.dma_semaphore, #tpu.memory_space<semaphore_mem>>
      %dma_start3A = arith.constant 0 : i32
      %dma_start3A_36 = tpu.memref_slice %arg2[%run_scoped3A_13, %mul3A_12, %dma_start3A] : memref<2x1280x128xi32, #tpu.memory_space<hbm>> -> memref<1x40x128xi32, #tpu.memory_space<hbm>>
      %dma_start3A_37 = tpu.memref_squeeze %dma_start3A_36 : memref<1x40x128xi32, #tpu.memory_space<hbm>> -> memref<40x128xi32, #tpu.memory_space<hbm>>
      %dma_start3A_38 = arith.constant 0 : i32
      %dma_start3A_39 = tpu.memref_slice %arg2[%run_scoped3A_13, %mul3A_12, %dma_start3A_38] : memref<2x1280x128xi32, #tpu.memory_space<hbm>> -> memref<1x40x128xi32, #tpu.memory_space<hbm>>
      %dma_start3A_40 = tpu.memref_squeeze %dma_start3A_39 : memref<1x40x128xi32, #tpu.memory_space<hbm>> -> memref<40x128xi32, #tpu.memory_space<hbm>>
      tpu.enqueue_dma source(%dma_start3A_40 : memref<40x128xi32, #tpu.memory_space<hbm>>) target(%arg7 : memref<40x128xi32, #tpu.memory_space<vmem>>) target_semaphore(%run_scoped3A_35 : memref<!tpu.dma_semaphore, #tpu.memory_space<semaphore_mem>>)
      %dma_wait3A = arith.constant 0 : i32
      %dma_wait3A_41 = tpu.memref_slice %arg2[%run_scoped3A_13, %mul3A_12, %dma_wait3A] : memref<2x1280x128xi32, #tpu.memory_space<hbm>> -> memref<1x40x128xi32, #tpu.memory_space<hbm>>
      %dma_wait3A_42 = tpu.memref_squeeze %dma_wait3A_41 : memref<1x40x128xi32, #tpu.memory_space<hbm>> -> memref<40x128xi32, #tpu.memory_space<hbm>>
      %dma_wait3A_43 = arith.constant 0 : i32
      %dma_wait3A_44 = tpu.memref_slice %arg2[%run_scoped3A_13, %mul3A_12, %dma_wait3A_43] : memref<2x1280x128xi32, #tpu.memory_space<hbm>> -> memref<1x40x128xi32, #tpu.memory_space<hbm>>
      %dma_wait3A_45 = tpu.memref_squeeze %dma_wait3A_44 : memref<1x40x128xi32, #tpu.memory_space<hbm>> -> memref<40x128xi32, #tpu.memory_space<hbm>>
      tpu.wait_dma2 semaphore(%run_scoped3A_35 : memref<!tpu.dma_semaphore, #tpu.memory_space<semaphore_mem>>) src(%dma_wait3A_45 : memref<40x128xi32, #tpu.memory_space<hbm>>) dst(%arg7 : memref<40x128xi32, #tpu.memory_space<vmem>>)
      tpu.yield
    }) : () -> ()
    "tpu.region"() ({
      %run_scoped3A_35 = tpu.sem_alloc : memref<!tpu.dma_semaphore, #tpu.memory_space<semaphore_mem>>
      tpu.enqueue_dma source(%arg3 : memref<16xi32, #tpu.memory_space<hbm>>) target(%arg11 : memref<16xi32, #tpu.memory_space<vmem>>) target_semaphore(%run_scoped3A_35 : memref<!tpu.dma_semaphore, #tpu.memory_space<semaphore_mem>>)
      tpu.wait_dma2 semaphore(%run_scoped3A_35 : memref<!tpu.dma_semaphore, #tpu.memory_space<semaphore_mem>>) src(%arg3 : memref<16xi32, #tpu.memory_space<hbm>>) dst(%arg11 : memref<16xi32, #tpu.memory_space<vmem>>)
      tpu.yield
    }) : () -> ()
    %get3A = arith.constant 0 : index
    %get3A_14 = tpu.vector_load %arg11[%get3A] {strides = array<i32>} : memref<16xi32, #tpu.memory_space<vmem>>, vector<16xi32>,
    %get3A_15 = vector.shape_cast %get3A_14 : vector<16xi32> to vector<16xi32>
    %scan3A_16 = arith.constant 0 : i32
    %scan3A_17 = arith.constant 320 : i32
    %scan3A_18 = arith.addi %scan3A_16, %scan3A_17 : i32
    %scan3A_19 = arith.constant 1 : i32
    scf.for %scan3A_35 = %scan3A_16 to %scan3A_18 step %scan3A_19  : i32 {
      %jit3A = arith.constant 8 : i32
      %div3A = arith.divsi %scan3A_35, %jit3A : i32
      %sign3A = arith.constant 0 : i32
      %sign3A_36 = arith.cmpi sgt, %scan3A_35, %sign3A : i32
      %sign3A_37 = arith.extui %sign3A_36 : i1 to i32
      %sign3A_38 = arith.constant 0 : i32
      %sign3A_39 = arith.cmpi slt, %scan3A_35, %sign3A_38 : i32
      %sign3A_40 = arith.extui %sign3A_39 : i1 to i32
      %sign3A_41 = arith.subi %sign3A_37, %sign3A_40 : i32
      %sign3A_42 = arith.constant 0 : i32
      %sign3A_43 = arith.cmpi sgt, %jit3A, %sign3A_42 : i32
      %sign3A_44 = arith.extui %sign3A_43 : i1 to i32
      %sign3A_45 = arith.constant 0 : i32
      %sign3A_46 = arith.cmpi slt, %jit3A, %sign3A_45 : i32
      %sign3A_47 = arith.extui %sign3A_46 : i1 to i32
      %sign3A_48 = arith.subi %sign3A_44, %sign3A_47 : i32
      %ne3A = arith.cmpi ne, %sign3A_41, %sign3A_48 : i32
      %rem3A = arith.remsi %scan3A_35, %jit3A : i32
      %ne3A_49 = arith.constant 0 : i32
      %ne3A_50 = arith.cmpi ne, %rem3A, %ne3A_49 : i32
      %and3A = arith.andi %ne3A, %ne3A_50 : i1
      %sub3A = arith.constant 1 : i32
      %sub3A_51 = arith.subi %div3A, %sub3A : i32
      %select_n3A = arith.select %and3A, %sub3A_51, %div3A : i32
      %jit3A_52 = arith.constant 8 : i32
      %eq3A = arith.constant 0 : i32
      %eq3A_53 = arith.cmpi eq, %jit3A_52, %eq3A : i32
      %jit3A_54 = arith.constant 1 : i32
      %select_n3A_55 = arith.select %eq3A_53, %jit3A_54, %jit3A_52 : i32
      %rem3A_56 = arith.remsi %scan3A_35, %select_n3A_55 : i32
      %ne3A_57 = arith.constant 0 : i32
      %ne3A_58 = arith.cmpi ne, %rem3A_56, %ne3A_57 : i32
      %lt3A = arith.constant 0 : i32
      %lt3A_59 = arith.cmpi slt, %rem3A_56, %lt3A : i32
      %lt3A_60 = arith.constant 0 : i32
      %lt3A_61 = arith.cmpi slt, %select_n3A_55, %lt3A_60 : i32
      %ne3A_62 = arith.xori %lt3A_59, %lt3A_61 : i1
      %and3A_63 = arith.andi %ne3A_62, %ne3A_58 : i1
      %add3A_64 = arith.addi %rem3A_56, %select_n3A_55 : i32
      %select_n3A_65 = arith.select %and3A_63, %add3A_64, %rem3A_56 : i32
      %mul3A_66 = arith.constant 16 : i32
      %mul3A_67 = arith.muli %select_n3A_65, %mul3A_66 : i32
      %get3A_68 = arith.index_cast %select_n3A : i32 to index
      %get3A_69 = arith.index_cast %mul3A_67 : i32 to index
      %get3A_70 = tpu.vector_load %arg7[%get3A_68, %get3A_69] {strides = array<i32>} : memref<40x128xi32, #tpu.memory_space<vmem>>, vector<1x16xi32>,
      %get3A_71 = vector.shape_cast %get3A_70 : vector<1x16xi32> to vector<16xi32>
      %eq3A_72 = arith.cmpi eq, %get3A_71, %get3A_15 : vector<16xi32>
      %broadcast_in_dim3A = arith.constant 1.000000e+00 : f32
      %broadcast_in_dim3A_73 = vector.broadcast %broadcast_in_dim3A : f32 to vector<16xf32>
      %broadcast_in_dim3A_74 = arith.constant 0.000000e+00 : f32
      %broadcast_in_dim3A_75 = vector.broadcast %broadcast_in_dim3A_74 : f32 to vector<16xf32>
      %select_n3A_76 = arith.select %eq3A_72, %broadcast_in_dim3A_73, %broadcast_in_dim3A_75 : vector<16xi1>, vector<16xf32>
      %broadcast_in_dim3A_77 = arith.constant 1.000000e+00 : f32
      %broadcast_in_dim3A_78 = vector.broadcast %broadcast_in_dim3A_77 : f32 to vector<16xf32>
      %swap3A = arith.index_cast %select_n3A : i32 to index
      %swap3A_79 = arith.index_cast %mul3A_67 : i32 to index
      %swap3A_80 = tpu.vector_load %arg8[%swap3A, %swap3A_79] {strides = array<i32>} : memref<40x128xf32, #tpu.memory_space<vmem>>, vector<1x16xf32>,
      %swap3A_81 = vector.shape_cast %swap3A_80 : vector<1x16xf32> to vector<16xf32>
      %swap3A_82 = vector.shape_cast %broadcast_in_dim3A_78 : vector<16xf32> to vector<1x16xf32>
      tpu.vector_store %arg8[%swap3A, %swap3A_79], %swap3A_82 {strides = array<i32>} : memref<40x128xf32, #tpu.memory_space<vmem>>, vector<1x16xf32>,
      %swap3A_83 = arith.index_cast %select_n3A : i32 to index
      %swap3A_84 = arith.index_cast %mul3A_67 : i32 to index
      %swap3A_85 = tpu.vector_load %arg9[%swap3A_83, %swap3A_84] {strides = array<i32>} : memref<40x128xf32, #tpu.memory_space<vmem>>, vector<1x16xf32>,
      %swap3A_86 = vector.shape_cast %swap3A_85 : vector<1x16xf32> to vector<16xf32>
      %swap3A_87 = vector.shape_cast %select_n3A_76 : vector<16xf32> to vector<1x16xf32>
      tpu.vector_store %arg9[%swap3A_83, %swap3A_84], %swap3A_87 {strides = array<i32>} : memref<40x128xf32, #tpu.memory_space<vmem>>, vector<1x16xf32>,
    }
    %scan3A_20 = arith.constant 320 : i32
    %barrier3A = arith.constant 0 : index
    tpu.barrier barrier_id(%barrier3A)
    %scan3A_21 = arith.constant 0 : i32
    %scan3A_22 = arith.constant 40 : i32
    %scan3A_23 = arith.addi %scan3A_21, %scan3A_22 : i32
    %scan3A_24 = arith.constant 1 : i32
    scf.for %scan3A_35 = %scan3A_21 to %scan3A_23 step %scan3A_24  : i32 {
      "tpu.region"() ({
        %run_scoped3A_36 = tpu.sem_alloc : memref<!tpu.dma_semaphore, #tpu.memory_space<semaphore_mem>>
        %dma_start3A = arith.constant 0 : i32
        %dma_start3A_37 = tpu.memref_slice %arg8[%scan3A_35, %dma_start3A] : memref<40x128xf32, #tpu.memory_space<vmem>> -> memref<1x128xf32, #tpu.memory_space<vmem>>
        %dma_start3A_38 = tpu.memref_squeeze %dma_start3A_37 : memref<1x128xf32, #tpu.memory_space<vmem>> -> memref<128xf32, #tpu.memory_space<vmem>>
        %dma_start3A_39 = arith.constant 0 : i32
        %dma_start3A_40 = tpu.memref_slice %arg7[%scan3A_35, %dma_start3A_39] : memref<40x128xi32, #tpu.memory_space<vmem>> -> memref<1x128xi32, #tpu.memory_space<vmem>>
        %dma_start3A_41 = tpu.memref_squeeze %dma_start3A_40 : memref<1x128xi32, #tpu.memory_space<vmem>> -> memref<128xi32, #tpu.memory_space<vmem>>
        %dma_start3A_42 = arith.constant 0 : i32
        %dma_start3A_43 = tpu.memref_slice %arg12[%dma_start3A_42] : memref<10240xf32, #tpu.memory_space<vmem_shared>> -> memref<10240xf32, #tpu.memory_space<vmem_shared>>
        tpu.enqueue_indirect_dma source(%dma_start3A_38 : memref<128xf32, #tpu.memory_space<vmem>>) target(%dma_start3A_43 : memref<10240xf32, #tpu.memory_space<vmem_shared>>) offsets(%dma_start3A_41 : memref<128xi32, #tpu.memory_space<vmem>>) semaphore(%run_scoped3A_36 : memref<!tpu.dma_semaphore, #tpu.memory_space<semaphore_mem>>) {add = true}
        %dma_wait3A = arith.constant 0 : i32
        %dma_wait3A_44 = tpu.memref_slice %arg8[%scan3A_35, %dma_wait3A] : memref<40x128xf32, #tpu.memory_space<vmem>> -> memref<1x128xf32, #tpu.memory_space<vmem>>
        %dma_wait3A_45 = tpu.memref_squeeze %dma_wait3A_44 : memref<1x128xf32, #tpu.memory_space<vmem>> -> memref<128xf32, #tpu.memory_space<vmem>>
        %dma_wait3A_46 = arith.constant 0 : i32
        %dma_wait3A_47 = tpu.memref_slice %arg7[%scan3A_35, %dma_wait3A_46] : memref<40x128xi32, #tpu.memory_space<vmem>> -> memref<1x128xi32, #tpu.memory_space<vmem>>
        %dma_wait3A_48 = tpu.memref_squeeze %dma_wait3A_47 : memref<1x128xi32, #tpu.memory_space<vmem>> -> memref<128xi32, #tpu.memory_space<vmem>>
        %dma_wait3A_49 = arith.constant 0 : i32
        %dma_wait3A_50 = tpu.memref_slice %arg12[%dma_wait3A_49] : memref<10240xf32, #tpu.memory_space<vmem_shared>> -> memref<10240xf32, #tpu.memory_space<vmem_shared>>
        tpu.wait_indirect_dma semaphore(%run_scoped3A_36 : memref<!tpu.dma_semaphore, #tpu.memory_space<semaphore_mem>>) src(%dma_wait3A_45 : memref<128xf32, #tpu.memory_space<vmem>>) dst(%dma_wait3A_50 : memref<10240xf32, #tpu.memory_space<vmem_shared>>)
        tpu.yield
      }) : () -> ()
      "tpu.region"() ({
        %run_scoped3A_36 = tpu.sem_alloc : memref<!tpu.dma_semaphore, #tpu.memory_space<semaphore_mem>>
        %dma_start3A = arith.constant 0 : i32
        %dma_start3A_37 = tpu.memref_slice %arg9[%scan3A_35, %dma_start3A] : memref<40x128xf32, #tpu.memory_space<vmem>> -> memref<1x128xf32, #tpu.memory_space<vmem>>
        %dma_start3A_38 = tpu.memref_squeeze %dma_start3A_37 : memref<1x128xf32, #tpu.memory_space<vmem>> -> memref<128xf32, #tpu.memory_space<vmem>>
        %dma_start3A_39 = arith.constant 0 : i32
        %dma_start3A_40 = tpu.memref_slice %arg6[%scan3A_35, %dma_start3A_39] : memref<40x128xi32, #tpu.memory_space<vmem>> -> memref<1x128xi32, #tpu.memory_space<vmem>>
        %dma_start3A_41 = tpu.memref_squeeze %dma_start3A_40 : memref<1x128xi32, #tpu.memory_space<vmem>> -> memref<128xi32, #tpu.memory_space<vmem>>
        %dma_start3A_42 = arith.constant 0 : i32
        %dma_start3A_43 = tpu.memref_slice %arg13[%dma_start3A_42] : memref<10240xf32, #tpu.memory_space<vmem_shared>> -> memref<10240xf32, #tpu.memory_space<vmem_shared>>
        tpu.enqueue_indirect_dma source(%dma_start3A_38 : memref<128xf32, #tpu.memory_space<vmem>>) target(%dma_start3A_43 : memref<10240xf32, #tpu.memory_space<vmem_shared>>) offsets(%dma_start3A_41 : memref<128xi32, #tpu.memory_space<vmem>>) semaphore(%run_scoped3A_36 : memref<!tpu.dma_semaphore, #tpu.memory_space<semaphore_mem>>) {add = true}
        %dma_wait3A = arith.constant 0 : i32
        %dma_wait3A_44 = tpu.memref_slice %arg9[%scan3A_35, %dma_wait3A] : memref<40x128xf32, #tpu.memory_space<vmem>> -> memref<1x128xf32, #tpu.memory_space<vmem>>
        %dma_wait3A_45 = tpu.memref_squeeze %dma_wait3A_44 : memref<1x128xf32, #tpu.memory_space<vmem>> -> memref<128xf32, #tpu.memory_space<vmem>>
        %dma_wait3A_46 = arith.constant 0 : i32
        %dma_wait3A_47 = tpu.memref_slice %arg6[%scan3A_35, %dma_wait3A_46] : memref<40x128xi32, #tpu.memory_space<vmem>> -> memref<1x128xi32, #tpu.memory_space<vmem>>
        %dma_wait3A_48 = tpu.memref_squeeze %dma_wait3A_47 : memref<1x128xi32, #tpu.memory_space<vmem>> -> memref<128xi32, #tpu.memory_space<vmem>>
        %dma_wait3A_49 = arith.constant 0 : i32
        %dma_wait3A_50 = tpu.memref_slice %arg13[%dma_wait3A_49] : memref<10240xf32, #tpu.memory_space<vmem_shared>> -> memref<10240xf32, #tpu.memory_space<vmem_shared>>
        tpu.wait_indirect_dma semaphore(%run_scoped3A_36 : memref<!tpu.dma_semaphore, #tpu.memory_space<semaphore_mem>>) src(%dma_wait3A_45 : memref<128xf32, #tpu.memory_space<vmem>>) dst(%dma_wait3A_50 : memref<10240xf32, #tpu.memory_space<vmem_shared>>)
        tpu.yield
      }) : () -> ()
    }
    %scan3A_25 = arith.constant 40 : i32
    %barrier3A_26 = arith.constant 0 : index
    tpu.barrier barrier_id(%barrier3A_26)
    %mul3A_27 = arith.constant 640 : i32
    %mul3A_28 = arith.muli %arg1, %mul3A_27 : i32
    %mul3A_29 = arith.constant 640 : i32
    %mul3A_30 = arith.muli %arg1, %mul3A_29 : i32
    "tpu.region"() ({
      %run_scoped3A_35 = tpu.sem_alloc : memref<!tpu.dma_semaphore, #tpu.memory_space<semaphore_mem>>
      %dma_start3A = tpu.memref_slice %arg4[%arg0, %mul3A_30] : memref<2x10240xf32, #tpu.memory_space<hbm>> -> memref<1x640xf32, #tpu.memory_space<hbm>>
      %dma_start3A_36 = tpu.memref_squeeze %dma_start3A : memref<1x640xf32, #tpu.memory_space<hbm>> -> memref<640xf32, #tpu.memory_space<hbm>>
      %dma_start3A_37 = tpu.memref_slice %arg12[%mul3A_28] : memref<10240xf32, #tpu.memory_space<vmem_shared>> -> memref<640xf32, #tpu.memory_space<vmem_shared>>
      tpu.enqueue_dma source(%dma_start3A_37 : memref<640xf32, #tpu.memory_space<vmem_shared>>) target(%dma_start3A_36 : memref<640xf32, #tpu.memory_space<hbm>>) target_semaphore(%run_scoped3A_35 : memref<!tpu.dma_semaphore, #tpu.memory_space<semaphore_mem>>)
      %dma_wait3A = tpu.memref_slice %arg4[%arg0, %mul3A_30] : memref<2x10240xf32, #tpu.memory_space<hbm>> -> memref<1x640xf32, #tpu.memory_space<hbm>>
      %dma_wait3A_38 = tpu.memref_squeeze %dma_wait3A : memref<1x640xf32, #tpu.memory_space<hbm>> -> memref<640xf32, #tpu.memory_space<hbm>>
      %dma_wait3A_39 = tpu.memref_slice %arg12[%mul3A_28] : memref<10240xf32, #tpu.memory_space<vmem_shared>> -> memref<640xf32, #tpu.memory_space<vmem_shared>>
      tpu.wait_dma2 semaphore(%run_scoped3A_35 : memref<!tpu.dma_semaphore, #tpu.memory_space<semaphore_mem>>) src(%dma_wait3A_39 : memref<640xf32, #tpu.memory_space<vmem_shared>>) dst(%dma_wait3A_38 : memref<640xf32, #tpu.memory_space<hbm>>)
      tpu.yield
    }) : () -> ()
    %mul3A_31 = arith.constant 640 : i32
    %mul3A_32 = arith.muli %arg1, %mul3A_31 : i32
    %mul3A_33 = arith.constant 640 : i32
    %mul3A_34 = arith.muli %arg1, %mul3A_33 : i32
    "tpu.region"() ({
      %run_scoped3A_35 = tpu.sem_alloc : memref<!tpu.dma_semaphore, #tpu.memory_space<semaphore_mem>>
      %dma_start3A = tpu.memref_slice %arg5[%arg0, %mul3A_34] : memref<2x10240xf32, #tpu.memory_space<hbm>> -> memref<1x640xf32, #tpu.memory_space<hbm>>
      %dma_start3A_36 = tpu.memref_squeeze %dma_start3A : memref<1x640xf32, #tpu.memory_space<hbm>> -> memref<640xf32, #tpu.memory_space<hbm>>
      %dma_start3A_37 = tpu.memref_slice %arg13[%mul3A_32] : memref<10240xf32, #tpu.memory_space<vmem_shared>> -> memref<640xf32, #tpu.memory_space<vmem_shared>>
      tpu.enqueue_dma source(%dma_start3A_37 : memref<640xf32, #tpu.memory_space<vmem_shared>>) target(%dma_start3A_36 : memref<640xf32, #tpu.memory_space<hbm>>) target_semaphore(%run_scoped3A_35 : memref<!tpu.dma_semaphore, #tpu.memory_space<semaphore_mem>>)
      %dma_wait3A = tpu.memref_slice %arg5[%arg0, %mul3A_34] : memref<2x10240xf32, #tpu.memory_space<hbm>> -> memref<1x640xf32, #tpu.memory_space<hbm>>
      %dma_wait3A_38 = tpu.memref_squeeze %dma_wait3A : memref<1x640xf32, #tpu.memory_space<hbm>> -> memref<640xf32, #tpu.memory_space<hbm>>
      %dma_wait3A_39 = tpu.memref_slice %arg13[%mul3A_32] : memref<10240xf32, #tpu.memory_space<vmem_shared>> -> memref<640xf32, #tpu.memory_space<vmem_shared>>
      tpu.wait_dma2 semaphore(%run_scoped3A_35 : memref<!tpu.dma_semaphore, #tpu.memory_space<semaphore_mem>>) src(%dma_wait3A_39 : memref<640xf32, #tpu.memory_space<vmem_shared>>) dst(%dma_wait3A_38 : memref<640xf32, #tpu.memory_space<hbm>>)
      tpu.yield
    }) : () -> ()
    return
  }
}

module attributes {stable_mosaic.version = 14 : i64} {
  func.func @_tc_body(%arg0: i32, %arg1: i32, %arg2: memref<1x2048x128xf32, #tpu.memory_space<vmem>>, %arg3: memref<1x2048x1xf32, #tpu.memory_space<vmem>>, %arg4: memref<128x64xf32, #tpu.memory_space<vmem>>, %arg5: memref<1x64xf32, #tpu.memory_space<vmem>>, %arg6: memref<1x64xf32, #tpu.memory_space<vmem>>, %arg7: memref<2x2048xf32, #tpu.memory_space<vmem>>, %arg8: memref<2x2048xf32, #tpu.memory_space<vmem>>, %arg9: memref<4xi32, #tpu.memory_space<smem>>, %arg10: memref<1xi32, #tpu.memory_space<smem>>, %arg11: memref<144x64xf32, #tpu.memory_space<vmem>>, %arg12: memref<64x1xf32, #tpu.memory_space<vmem>>, %arg13: memref<1x1xf32, #tpu.memory_space<vmem>>, %arg14: memref<1x64xf32, #tpu.memory_space<vmem>>, %arg15: memref<1x2048x64xf32, #tpu.memory_space<vmem>>, %arg16: memref<1x1x1xf32, #tpu.memory_space<vmem>>, %arg17: memref<8x128xf32, #tpu.memory_space<vmem>>, %arg18: memref<2xf32, #tpu.memory_space<smem>>) attributes {dimension_semantics = [#tpu.dimension_semantics<arbitrary>, #tpu.dimension_semantics<arbitrary>], iteration_bounds = array<i64: 4, 5>, scalar_prefetch = 0 : i64, scratch_operands = 2 : i64, tpu.core_type = #tpu.core_type<tc>, window_params = [{transform_indices = @transform_0, window_bounds = array<i64: 1, 2048, 128>}, {transform_indices = @transform_1, window_bounds = array<i64: 1, 2048, 1>}, {pipeline_mode = #tpu.pipeline_mode<synchronous>, transform_indices = @transform_2, window_bounds = array<i64: 128, 64>}, {pipeline_mode = #tpu.pipeline_mode<synchronous>, transform_indices = @transform_3, window_bounds = array<i64: 1, 64>}, {pipeline_mode = #tpu.pipeline_mode<synchronous>, transform_indices = @transform_4, window_bounds = array<i64: 1, 64>}, {transform_indices = @transform_5, window_bounds = array<i64: 2, 2048>}, {transform_indices = @transform_6, window_bounds = array<i64: 2, 2048>}, {transform_indices = @transform_7, window_bounds = array<i64: 4>}, {transform_indices = @transform_8, window_bounds = array<i64: 1>}, {pipeline_mode = #tpu.pipeline_mode<synchronous>, transform_indices = @transform_9, window_bounds = array<i64: 144, 64>}, {pipeline_mode = #tpu.pipeline_mode<synchronous>, transform_indices = @transform_10, window_bounds = array<i64: 64, 1>}, {pipeline_mode = #tpu.pipeline_mode<synchronous>, transform_indices = @transform_11, window_bounds = array<i64: 1, 1>}, {pipeline_mode = #tpu.pipeline_mode<synchronous>, transform_indices = @transform_12, window_bounds = array<i64: 1, 64>}, {transform_indices = @transform_13, window_bounds = array<i64: 1, 2048, 64>}, {transform_indices = @transform_14, window_bounds = array<i64: 1, 1, 1>}]} {
    %get3A = arith.constant 0 : index
    %get3A_0 = arith.constant 0 : index
    %get3A_1 = arith.constant 0 : index
    %get3A_2 = vector.load %arg2[%get3A, %get3A_0, %get3A_1] : memref<1x2048x128xf32, #tpu.memory_space<vmem>>, vector<1x2048x128xf32>
    %get3A_3 = vector.shape_cast %get3A_2 : vector<1x2048x128xf32> to vector<2048x128xf32>
    %get3A_4 = arith.constant 0 : index
    %get3A_5 = memref.load %arg10[%get3A_4] : memref<1xi32, #tpu.memory_space<smem>>
    %get3A_6 = arith.constant 0 : index
    %get3A_7 = arith.constant 0 : index
    %get3A_8 = vector.load %arg4[%get3A_6, %get3A_7] : memref<128x64xf32, #tpu.memory_space<vmem>>, vector<128x64xf32>
    %dot_general3A = arith.constant dense<0.000000e+00> : vector<2048x64xf32>
    %dot_general3A_9 = tpu.matmul %get3A_3, %get3A_8, %dot_general3A {dimension_numbers = #tpu.dot_dimension_numbers<[1], [0], [0], [1], [0, 0, 1, 1], [], []>, transpose_lhs_hint = false} : vector<2048x128xf32>, vector<128x64xf32>, vector<2048x64xf32> -> vector<2048x64xf32>
    %get3A_10 = arith.constant 0 : index
    %get3A_11 = arith.constant 0 : index
    %get3A_12 = arith.constant 0 : index
    %get3A_13 = vector.load %arg3[%get3A_10, %get3A_11, %get3A_12] : memref<1x2048x1xf32, #tpu.memory_space<vmem>>, vector<1x2048x1xf32>
    %get3A_14 = vector.shape_cast %get3A_13 : vector<1x2048x1xf32> to vector<2048x1xf32>
    %get3A_15 = arith.constant 0 : index
    %get3A_16 = arith.constant 0 : index
    %get3A_17 = vector.load %arg5[%get3A_15, %get3A_16] : memref<1x64xf32, #tpu.memory_space<vmem>>, vector<1x64xf32>
    %mul3A = vector.broadcast %get3A_14 : vector<2048x1xf32> to vector<2048x64xf32>
    %mul3A_18 = vector.broadcast %get3A_17 : vector<1x64xf32> to vector<2048x64xf32>
    %mul3A_19 = arith.mulf %mul3A, %mul3A_18 : vector<2048x64xf32>
    %add3A = arith.addf %dot_general3A_9, %mul3A_19 : vector<2048x64xf32>
    %get3A_20 = arith.constant 0 : index
    %get3A_21 = arith.constant 0 : index
    %get3A_22 = vector.load %arg6[%get3A_20, %get3A_21] : memref<1x64xf32, #tpu.memory_space<vmem>>, vector<1x64xf32>
    %add3A_23 = vector.broadcast %get3A_22 : vector<1x64xf32> to vector<2048x64xf32>
    %add3A_24 = arith.addf %add3A, %add3A_23 : vector<2048x64xf32>
    %ge3A = arith.constant 0.000000e+00 : f32
    %ge3A_25 = vector.broadcast %ge3A : f32 to vector<2048x64xf32>
    %ge3A_26 = arith.cmpf oge, %add3A_24, %ge3A_25 : vector<2048x64xf32>
    %mul3A_27 = arith.constant 0.00999999977 : f32
    %mul3A_28 = vector.broadcast %mul3A_27 : f32 to vector<2048x64xf32>
    %mul3A_29 = arith.mulf %mul3A_28, %add3A_24 : vector<2048x64xf32>
    %select_n3A = arith.select %ge3A_26, %add3A_24, %mul3A_29 : vector<2048x64xi1>, vector<2048x64xf32>
    %swap3A = arith.constant 0 : index
    %swap3A_30 = arith.constant 0 : index
    %swap3A_31 = arith.constant 0 : index
    %swap3A_32 = vector.load %arg15[%swap3A, %swap3A_30, %swap3A_31] : memref<1x2048x64xf32, #tpu.memory_space<vmem>>, vector<1x2048x64xf32>
    %swap3A_33 = vector.shape_cast %swap3A_32 : vector<1x2048x64xf32> to vector<2048x64xf32>
    %swap3A_34 = vector.shape_cast %select_n3A : vector<2048x64xf32> to vector<1x2048x64xf32>
    tpu.vector_store %arg15[%swap3A, %swap3A_30, %swap3A_31], %swap3A_34 {strides = array<i32>} : memref<1x2048x64xf32, #tpu.memory_space<vmem>>, vector<1x2048x64xf32>,
    %get3A_35 = arith.constant 0 : index
    %get3A_36 = arith.constant 0 : index
    %get3A_37 = vector.load %arg7[%get3A_35, %get3A_36] : memref<2x2048xf32, #tpu.memory_space<vmem>>, vector<1x2048xf32>
    %get3A_38 = arith.constant 1 : index
    %get3A_39 = arith.constant 0 : index
    %get3A_40 = vector.load %arg7[%get3A_38, %get3A_39] : memref<2x2048xf32, #tpu.memory_space<vmem>>, vector<1x2048xf32>
    %add3A_41 = arith.addf %get3A_37, %get3A_40 : vector<1x2048xf32>
    %get3A_42 = arith.constant 0 : index
    %get3A_43 = arith.constant 0 : index
    %get3A_44 = vector.load %arg8[%get3A_42, %get3A_43] : memref<2x2048xf32, #tpu.memory_space<vmem>>, vector<1x2048xf32>
    %get3A_45 = arith.constant 1 : index
    %get3A_46 = arith.constant 0 : index
    %get3A_47 = vector.load %arg8[%get3A_45, %get3A_46] : memref<2x2048xf32, #tpu.memory_space<vmem>>, vector<1x2048xf32>
    %add3A_48 = arith.addf %get3A_44, %get3A_47 : vector<1x2048xf32>
    %add3A_49 = arith.constant 1.000000e+00 : f32
    %add3A_50 = vector.broadcast %add3A_49 : f32 to vector<1x2048xf32>
    %add3A_51 = arith.addf %add3A_41, %add3A_50 : vector<1x2048xf32>
    %rsqrt3A = math.rsqrt %add3A_51 : vector<1x2048xf32>
    %mul3A_52 = arith.mulf %rsqrt3A, %add3A_48 : vector<1x2048xf32>
    %iota3A = tpu.iota {dimensions = array<i32: 1>} : vector<1x2048xi32>
    %mul3A_53 = arith.constant 2048 : i32
    %mul3A_54 = arith.muli %arg1, %mul3A_53 : i32
    %add3A_55 = vector.broadcast %mul3A_54 : i32 to vector<1x2048xi32>
    %add3A_56 = arith.addi %iota3A, %add3A_55 : vector<1x2048xi32>
    %eq3A = vector.broadcast %get3A_5 : i32 to vector<1x2048xi32>
    %eq3A_57 = arith.cmpi eq, %add3A_56, %eq3A : vector<1x2048xi32>
    %jit3A = arith.constant 1.000000e+00 : f32
    %jit3A_58 = arith.constant 0.000000e+00 : f32
    %broadcast_in_dim3A = vector.broadcast %jit3A : f32 to vector<1x2048xf32>
    %broadcast_in_dim3A_59 = vector.broadcast %jit3A_58 : f32 to vector<1x2048xf32>
    %select_n3A_60 = arith.select %eq3A_57, %broadcast_in_dim3A, %broadcast_in_dim3A_59 : vector<1x2048xi1>, vector<1x2048xf32>
    %concatenate3A = tpu.concatenate %mul3A_52, %select_n3A_60 in 0 : vector<1x2048xf32>, vector<1x2048xf32> -> vector<2x2048xf32>
    %iota3A_61 = tpu.iota {dimensions = array<i32: 0>} : vector<2048x1xi32>
    %mul3A_62 = arith.constant 2048 : i32
    %mul3A_63 = arith.muli %arg1, %mul3A_62 : i32
    %add3A_64 = vector.broadcast %mul3A_63 : i32 to vector<2048x1xi32>
    %add3A_65 = arith.addi %iota3A_61, %add3A_64 : vector<2048x1xi32>
    %lt3A = arith.constant 10000 : i32
    %lt3A_66 = vector.broadcast %lt3A : i32 to vector<2048x1xi32>
    %lt3A_67 = arith.cmpi slt, %add3A_65, %lt3A_66 : vector<2048x1xi32>
    %jit3A_68 = arith.constant 0.000000e+00 : f32
    %broadcast_in_dim3A_69 = vector.shape_cast %lt3A_67 : vector<2048x1xi1> to vector<2048x1xi1>
    %broadcast_in_dim3A_70 = vector.broadcast %broadcast_in_dim3A_69 : vector<2048x1xi1> to vector<2048x128xi1>
    %broadcast_in_dim3A_71 = vector.broadcast %jit3A_68 : f32 to vector<2048x128xf32>
    %select_n3A_72 = arith.select %broadcast_in_dim3A_70, %get3A_3, %broadcast_in_dim3A_71 : vector<2048x128xi1>, vector<2048x128xf32>
    %dot_general3A_73 = arith.constant dense<0.000000e+00> : vector<2x128xf32>
    %dot_general3A_74 = tpu.matmul %concatenate3A, %select_n3A_72, %dot_general3A_73 {dimension_numbers = #tpu.dot_dimension_numbers<[1], [0], [0], [1], [0, 0, 1, 1], [], []>, precision = #tpu.contract_precision<fp32>, transpose_lhs_hint = false} : vector<2x2048xf32>, vector<2048x128xf32>, vector<2x128xf32> -> vector<2x128xf32>
    %reduce_sum3A = vector.shape_cast %mul3A_52 : vector<1x2048xf32> to vector<1x1x2048xf32>
    %reduce_sum3A_75 = arith.constant dense<0.000000e+00> : vector<1xf32>
    %reduce_sum3A_76 = vector.multi_reduction <add>, %reduce_sum3A, %reduce_sum3A_75 [1, 2] : vector<1x1x2048xf32> to vector<1xf32>
    %reduce_sum3A_77 = vector.shape_cast %reduce_sum3A_76 : vector<1xf32> to vector<1x1x1xf32>
    %reduce_sum3A_78 = vector.extract %reduce_sum3A_77[0, 0, 0] : f32 from vector<1x1x1xf32>
    %mul3A_79 = arith.mulf %select_n3A_60, %add3A_41 : vector<1x2048xf32>
    %reduce_sum3A_80 = vector.shape_cast %mul3A_79 : vector<1x2048xf32> to vector<1x1x2048xf32>
    %reduce_sum3A_81 = arith.constant dense<0.000000e+00> : vector<1xf32>
    %reduce_sum3A_82 = vector.multi_reduction <add>, %reduce_sum3A_80, %reduce_sum3A_81 [1, 2] : vector<1x1x2048xf32> to vector<1xf32>
    %reduce_sum3A_83 = vector.shape_cast %reduce_sum3A_82 : vector<1xf32> to vector<1x1x1xf32>
    %reduce_sum3A_84 = vector.extract %reduce_sum3A_83[0, 0, 0] : f32 from vector<1x1x1xf32>
    %eq3A_85 = arith.constant 0 : i32
    %eq3A_86 = arith.cmpi eq, %arg1, %eq3A_85 : i32
    %convert_element_type3A = arith.extui %eq3A_86 : i1 to i32
    %cond3A = arith.constant 0 : i32
    %cond3A_87 = arith.cmpi ne, %convert_element_type3A, %cond3A : i32
    scf.if %cond3A_87 {
      %broadcast_in_dim3A_110 = arith.constant 0.000000e+00 : f32
      %broadcast_in_dim3A_111 = vector.broadcast %broadcast_in_dim3A_110 : f32 to vector<8x128xf32>
      %swap3A_112 = arith.constant 0 : index
      %swap3A_113 = arith.constant 0 : index
      %swap3A_114 = vector.load %arg17[%swap3A_112, %swap3A_113] : memref<8x128xf32, #tpu.memory_space<vmem>>, vector<8x128xf32>
      tpu.vector_store %arg17[%swap3A_112, %swap3A_113], %broadcast_in_dim3A_111 {strides = array<i32>} : memref<8x128xf32, #tpu.memory_space<vmem>>, vector<8x128xf32>,
      %swap3A_115 = arith.constant 0.000000e+00 : f32
      %swap3A_116 = arith.constant 0 : index
      %swap3A_117 = memref.load %arg18[%swap3A_116] : memref<2xf32, #tpu.memory_space<smem>>
      memref.store %swap3A_115, %arg18[%swap3A_116] : memref<2xf32, #tpu.memory_space<smem>>
      %swap3A_118 = arith.constant 0.000000e+00 : f32
      %swap3A_119 = arith.constant 1 : index
      %swap3A_120 = memref.load %arg18[%swap3A_119] : memref<2xf32, #tpu.memory_space<smem>>
      memref.store %swap3A_118, %arg18[%swap3A_119] : memref<2xf32, #tpu.memory_space<smem>>
    } else {
    }
    %get3A_88 = arith.constant 0 : index
    %get3A_89 = arith.constant 0 : index
    %get3A_90 = vector.load %arg17[%get3A_88, %get3A_89] : memref<8x128xf32, #tpu.memory_space<vmem>>, vector<2x128xf32>
    %add3A_91 = arith.addf %get3A_90, %dot_general3A_74 : vector<2x128xf32>
    %swap3A_92 = arith.constant 0 : index
    %swap3A_93 = arith.constant 0 : index
    %swap3A_94 = vector.load %arg17[%swap3A_92, %swap3A_93] : memref<8x128xf32, #tpu.memory_space<vmem>>, vector<2x128xf32>
    tpu.vector_store %arg17[%swap3A_92, %swap3A_93], %add3A_91 {strides = array<i32>} : memref<8x128xf32, #tpu.memory_space<vmem>>, vector<2x128xf32>,
    %get3A_95 = arith.constant 0 : index
    %get3A_96 = memref.load %arg18[%get3A_95] : memref<2xf32, #tpu.memory_space<smem>>
    %add3A_97 = arith.addf %get3A_96, %reduce_sum3A_78 : f32
    %swap3A_98 = arith.constant 0 : index
    %swap3A_99 = memref.load %arg18[%swap3A_98] : memref<2xf32, #tpu.memory_space<smem>>
    memref.store %add3A_97, %arg18[%swap3A_98] : memref<2xf32, #tpu.memory_space<smem>>
    %get3A_100 = arith.constant 1 : index
    %get3A_101 = memref.load %arg18[%get3A_100] : memref<2xf32, #tpu.memory_space<smem>>
    %add3A_102 = arith.addf %get3A_101, %reduce_sum3A_84 : f32
    %swap3A_103 = arith.constant 1 : index
    %swap3A_104 = memref.load %arg18[%swap3A_103] : memref<2xf32, #tpu.memory_space<smem>>
    memref.store %add3A_102, %arg18[%swap3A_103] : memref<2xf32, #tpu.memory_space<smem>>
    %eq3A_105 = arith.constant 4 : i32
    %eq3A_106 = arith.cmpi eq, %arg1, %eq3A_105 : i32
    %convert_element_type3A_107 = arith.extui %eq3A_106 : i1 to i32
    %cond3A_108 = arith.constant 0 : i32
    %cond3A_109 = arith.cmpi ne, %convert_element_type3A_107, %cond3A_108 : i32
    scf.if %cond3A_109 {
      %get3A_110 = arith.constant 0 : index
      %get3A_111 = arith.constant 0 : index
      %get3A_112 = vector.load %arg17[%get3A_110, %get3A_111] : memref<8x128xf32, #tpu.memory_space<vmem>>, vector<1x128xf32>
      %get3A_113 = arith.constant 1 : index
      %get3A_114 = arith.constant 0 : index
      %get3A_115 = vector.load %arg17[%get3A_113, %get3A_114] : memref<8x128xf32, #tpu.memory_space<vmem>>, vector<1x128xf32>
      %get3A_116 = arith.constant 0 : index
      %get3A_117 = arith.constant 0 : index
      %get3A_118 = vector.load %arg11[%get3A_116, %get3A_117] : memref<144x64xf32, #tpu.memory_space<vmem>>, vector<16x64xf32>
      %get3A_119 = arith.constant 16 : index
      %get3A_120 = arith.constant 0 : index
      %get3A_121 = vector.load %arg11[%get3A_119, %get3A_120] : memref<144x64xf32, #tpu.memory_space<vmem>>, vector<128x64xf32>
      %iota3A_122 = tpu.iota {dimensions = array<i32: 0>} : vector<16x1xi32>
      %get3A_123 = arith.index_cast %arg0 : i32 to index
      %get3A_124 = memref.load %arg9[%get3A_123] : memref<4xi32, #tpu.memory_space<smem>>
      %eq3A_125 = vector.broadcast %get3A_124 : i32 to vector<16x1xi32>
      %eq3A_126 = arith.cmpi eq, %iota3A_122, %eq3A_125 : vector<16x1xi32>
      %jit3A_127 = arith.constant 0.000000e+00 : f32
      %broadcast_in_dim3A_128 = vector.shape_cast %eq3A_126 : vector<16x1xi1> to vector<16x1xi1>
      %broadcast_in_dim3A_129 = vector.broadcast %broadcast_in_dim3A_128 : vector<16x1xi1> to vector<16x64xi1>
      %broadcast_in_dim3A_130 = vector.broadcast %jit3A_127 : f32 to vector<16x64xf32>
      %select_n3A_131 = arith.select %broadcast_in_dim3A_129, %get3A_118, %broadcast_in_dim3A_130 : vector<16x64xi1>, vector<16x64xf32>
      %reduce_sum3A_132 = arith.constant dense<0.000000e+00> : vector<64xf32>
      %reduce_sum3A_133 = vector.multi_reduction <add>, %select_n3A_131, %reduce_sum3A_132 [0] : vector<16x64xf32> to vector<64xf32>
      %broadcast_in_dim3A_134 = vector.shape_cast %reduce_sum3A_133 : vector<64xf32> to vector<1x64xf32>
      %get3A_135 = arith.constant 0 : index
      %get3A_136 = memref.load %arg18[%get3A_135] : memref<2xf32, #tpu.memory_space<smem>>
      %get3A_137 = arith.constant 1 : index
      %get3A_138 = memref.load %arg18[%get3A_137] : memref<2xf32, #tpu.memory_space<smem>>
      %add3A_139 = arith.constant 1.000000e+00 : f32
      %add3A_140 = arith.addf %get3A_138, %add3A_139 : f32
      %rsqrt3A_141 = math.rsqrt %add3A_140 : f32
      %dot_general3A_142 = arith.constant dense<0.000000e+00> : vector<1x64xf32>
      %dot_general3A_143 = tpu.matmul %get3A_112, %get3A_121, %dot_general3A_142 {dimension_numbers = #tpu.dot_dimension_numbers<[1], [0], [0], [1], [0, 0, 1, 1], [], []>, precision = #tpu.contract_precision<fp32>, transpose_lhs_hint = false} : vector<1x128xf32>, vector<128x64xf32>, vector<1x64xf32> -> vector<1x64xf32>
      %dot_general3A_144 = arith.constant dense<0.000000e+00> : vector<1x64xf32>
      %dot_general3A_145 = tpu.matmul %get3A_115, %get3A_121, %dot_general3A_144 {dimension_numbers = #tpu.dot_dimension_numbers<[1], [0], [0], [1], [0, 0, 1, 1], [], []>, precision = #tpu.contract_precision<fp32>, transpose_lhs_hint = false} : vector<1x128xf32>, vector<128x64xf32>, vector<1x64xf32> -> vector<1x64xf32>
      %mul3A_146 = vector.broadcast %get3A_136 : f32 to vector<1x64xf32>
      %mul3A_147 = arith.mulf %broadcast_in_dim3A_134, %mul3A_146 : vector<1x64xf32>
      %add3A_148 = arith.addf %mul3A_147, %dot_general3A_143 : vector<1x64xf32>
      %mul3A_149 = vector.broadcast %rsqrt3A_141 : f32 to vector<1x64xf32>
      %mul3A_150 = arith.mulf %mul3A_149, %add3A_148 : vector<1x64xf32>
      %mul3A_151 = arith.mulf %rsqrt3A_141, %rsqrt3A_141 : f32
      %add3A_152 = arith.addf %broadcast_in_dim3A_134, %dot_general3A_145 : vector<1x64xf32>
      %mul3A_153 = vector.broadcast %mul3A_151 : f32 to vector<1x64xf32>
      %mul3A_154 = arith.mulf %mul3A_153, %add3A_152 : vector<1x64xf32>
      %add3A_155 = arith.addf %mul3A_150, %mul3A_154 : vector<1x64xf32>
      %get3A_156 = arith.constant 0 : index
      %get3A_157 = arith.constant 0 : index
      %get3A_158 = vector.load %arg14[%get3A_156, %get3A_157] : memref<1x64xf32, #tpu.memory_space<vmem>>, vector<1x64xf32>
      %add3A_159 = arith.addf %add3A_155, %get3A_158 : vector<1x64xf32>
      %ge3A_160 = arith.constant 0.000000e+00 : f32
      %ge3A_161 = vector.broadcast %ge3A_160 : f32 to vector<1x64xf32>
      %ge3A_162 = arith.cmpf oge, %add3A_159, %ge3A_161 : vector<1x64xf32>
      %mul3A_163 = arith.constant 0.00999999977 : f32
      %mul3A_164 = vector.broadcast %mul3A_163 : f32 to vector<1x64xf32>
      %mul3A_165 = arith.mulf %mul3A_164, %add3A_159 : vector<1x64xf32>
      %select_n3A_166 = arith.select %ge3A_162, %add3A_159, %mul3A_165 : vector<1x64xi1>, vector<1x64xf32>
      %get3A_167 = arith.constant 0 : index
      %get3A_168 = arith.constant 0 : index
      %get3A_169 = vector.load %arg12[%get3A_167, %get3A_168] : memref<64x1xf32, #tpu.memory_space<vmem>>, vector<64x1xf32>
      %dot_general3A_170 = arith.constant dense<0.000000e+00> : vector<1x1xf32>
      %dot_general3A_171 = tpu.matmul %select_n3A_166, %get3A_169, %dot_general3A_170 {dimension_numbers = #tpu.dot_dimension_numbers<[1], [0], [0], [1], [0, 0, 1, 1], [], []>, precision = #tpu.contract_precision<fp32>, transpose_lhs_hint = false} : vector<1x64xf32>, vector<64x1xf32>, vector<1x1xf32> -> vector<1x1xf32>
      %get3A_172 = arith.constant 0 : index
      %get3A_173 = arith.constant 0 : index
      %get3A_174 = vector.load %arg13[%get3A_172, %get3A_173] : memref<1x1xf32, #tpu.memory_space<vmem>>, vector<1x1xf32>
      %add3A_175 = arith.addf %dot_general3A_171, %get3A_174 : vector<1x1xf32>
      %swap3A_176 = arith.constant 0 : index
      %swap3A_177 = arith.constant 0 : index
      %swap3A_178 = arith.constant 0 : index
      %swap3A_179 = vector.load %arg16[%swap3A_176, %swap3A_177, %swap3A_178] : memref<1x1x1xf32, #tpu.memory_space<vmem>>, vector<1x1x1xf32>
      %swap3A_180 = vector.shape_cast %swap3A_179 : vector<1x1x1xf32> to vector<1x1xf32>
      %swap3A_181 = vector.shape_cast %add3A_175 : vector<1x1xf32> to vector<1x1x1xf32>
      tpu.vector_store %arg16[%swap3A_176, %swap3A_177, %swap3A_178], %swap3A_181 {strides = array<i32>} : memref<1x1x1xf32, #tpu.memory_space<vmem>>, vector<1x1x1xf32>,
    } else {
    }
    return
  }
  func.func @transform_0(%arg0: i32, %arg1: i32) -> (i32, i32, i32) {
    %c0_i32 = arith.constant 0 : i32
    %c0_i32_0 = arith.constant 0 : i32
    return %arg0, %arg1, %c0_i32 : i32, i32, i32
  }
  func.func @transform_1(%arg0: i32, %arg1: i32) -> (i32, i32, i32) {
    %c0_i32 = arith.constant 0 : i32
    %c0_i32_0 = arith.constant 0 : i32
    return %arg0, %arg1, %c0_i32 : i32, i32, i32
  }
  func.func @transform_2(%arg0: i32, %arg1: i32) -> (i32, i32) {
    %c0_i32 = arith.constant 0 : i32
    %c0_i32_0 = arith.constant 0 : i32
    %c0_i32_1 = arith.constant 0 : i32
    return %c0_i32, %c0_i32_0 : i32, i32
  }
  func.func @transform_3(%arg0: i32, %arg1: i32) -> (i32, i32) {
    %c0_i32 = arith.constant 0 : i32
    %c0_i32_0 = arith.constant 0 : i32
    %c0_i32_1 = arith.constant 0 : i32
    return %c0_i32, %c0_i32_0 : i32, i32
  }
  func.func @transform_4(%arg0: i32, %arg1: i32) -> (i32, i32) {
    %c0_i32 = arith.constant 0 : i32
    %c0_i32_0 = arith.constant 0 : i32
    %c0_i32_1 = arith.constant 0 : i32
    return %c0_i32, %c0_i32_0 : i32, i32
  }
  func.func @transform_5(%arg0: i32, %arg1: i32) -> (i32, i32) {
    %c0_i32 = arith.constant 0 : i32
    %c0_i32_0 = arith.constant 0 : i32
    return %c0_i32, %arg1 : i32, i32
  }
  func.func @transform_6(%arg0: i32, %arg1: i32) -> (i32, i32) {
    %c0_i32 = arith.constant 0 : i32
    %c0_i32_0 = arith.constant 0 : i32
    return %c0_i32, %arg1 : i32, i32
  }
  func.func @transform_7(%arg0: i32, %arg1: i32) -> i32 {
    %c0_i32 = arith.constant 0 : i32
    %c0_i32_0 = arith.constant 0 : i32
    return %c0_i32 : i32
  }
  func.func @transform_8(%arg0: i32, %arg1: i32) -> i32 {
    %c0_i32 = arith.constant 0 : i32
    %c0_i32_0 = arith.constant 0 : i32
    return %c0_i32 : i32
  }
  func.func @transform_9(%arg0: i32, %arg1: i32) -> (i32, i32) {
    %c0_i32 = arith.constant 0 : i32
    %c0_i32_0 = arith.constant 0 : i32
    %c0_i32_1 = arith.constant 0 : i32
    return %c0_i32, %c0_i32_0 : i32, i32
  }
  func.func @transform_10(%arg0: i32, %arg1: i32) -> (i32, i32) {
    %c0_i32 = arith.constant 0 : i32
    %c0_i32_0 = arith.constant 0 : i32
    %c0_i32_1 = arith.constant 0 : i32
    return %c0_i32, %c0_i32_0 : i32, i32
  }
  func.func @transform_11(%arg0: i32, %arg1: i32) -> (i32, i32) {
    %c0_i32 = arith.constant 0 : i32
    %c0_i32_0 = arith.constant 0 : i32
    %c0_i32_1 = arith.constant 0 : i32
    return %c0_i32, %c0_i32_0 : i32, i32
  }
  func.func @transform_12(%arg0: i32, %arg1: i32) -> (i32, i32) {
    %c0_i32 = arith.constant 0 : i32
    %c0_i32_0 = arith.constant 0 : i32
    %c0_i32_1 = arith.constant 0 : i32
    return %c0_i32, %c0_i32_0 : i32, i32
  }
  func.func @transform_13(%arg0: i32, %arg1: i32) -> (i32, i32, i32) {
    %c0_i32 = arith.constant 0 : i32
    %c0_i32_0 = arith.constant 0 : i32
    return %arg0, %arg1, %c0_i32 : i32, i32, i32
  }
  func.func @transform_14(%arg0: i32, %arg1: i32) -> (i32, i32, i32) {
    %c0_i32 = arith.constant 0 : i32
    %c0_i32_0 = arith.constant 0 : i32
    %c0_i32_1 = arith.constant 0 : i32
    return %arg0, %c0_i32, %c0_i32_0 : i32, i32, i32
  }
}

</mosaic_0001>

<sc_bundles>
// kernel: kernel.4.cloned.1.call-start
scs
__scs_entry_jumppad:
0x0: {  	(pc) =	sbr.rel $0x88, $3  }
0x1: {  	(tag) =	ssettag $0x0;
	lr =	simm.s32 $0x1  }
0x2: {  	[smem:$0x3F96] =	sst lr;
	_ =	strace $0xD0000000  }
0x3: {  	_ = 	snop  }
0x4: {  	_ = 	snop  }
0x5: {  	_ = 	snop  }
0x6: {  	_ = 	snop  }
0x7: {  	_ = 	snop  }
__scs_overlays_trampoline_lowered:
0x8: {  	[smem:$0x3FA5] =	sst s0  }
0x9: {  	[smem:$0x3FA6] =	sst s1  }
0xa: {  	[smem:$0x3FA7] =	sst s2  }
0xb: {  	[smem:$0x3FA8] =	sst s3  }
0xc: {  	[smem:$0x3FA9] =	sst s4  }
0xd: {  	[smem:$0x3FAA] =	sst s5  }
0xe: {  	[smem:$0x3FAB] =	sst s6  }
0xf: {  	[smem:$0x3FAC] =	sst s7  }
0x10: {  	[smem:$0x3FAD] =	sst s8  }
0x11: {  	[smem:$0x3FAE] =	sst s9;
	s0 =	simm.s32 @!p0 $0x0  }
0x12: {  	s1 =	sld [smem:$0x3F94];
	s0 =	simm.s32 @p0 $0x1  }
0x13: {  	[smem:$0x3FAF] =	sst s0;
	s0 =	simm.s32 @!p1 $0x0  }
0x14: {  	s2 =	sld [smem:$0x3F93];
	s0 =	simm.s32 @p1 $0x1  }
0x15: {  	[smem:$0x3FB0] =	sst s0;
	s0 =	simm.s32 @!p2 $0x0  }
0x16: {  	s3 =	sld [smem:$0x3FDB];
	s0 =	simm.s32 @p2 $0x1  }
0x17: {  	s4 =	simm.s32 $0x1BF5;
	[smem:$0x3FB2] =	sst s0  }
0x18: {  	s0 =	sld [smem:$0x3F95];
	_ =	swait.ge [sflag:s4], $0x0  }
0x19: {  	s7 =	sld [smem:$0x3F96]  }
0x1a: {  	s8 =	sadd.s32 $0xFFFFE003, lr  }
0x1b: {  	s9 =	sadd.s32 $0xFFFFFEF7, lr;
	s5 =	simm.s32 $0xFFFFFFFF;
	p2 =	slt.u32 s8, $0xFFFFF086  }
0x1c: {  	p1 =	slt.u32 s9, $0xF7A;
	s5 =	simm.s32 @!p2 $0x0  }
0x1d: {  	s5 =	simm.s32 @p1 $0x1;
	p0 =	seq.s32 s7, s2  }
0x1e: {  	s7 =	smul.u32 @!p0 $0xF7A, s2;
	p2 =	seq.s32 @!p0 s5, $0x0  }
0x1f: {  	s9 =	smul.u32 $0xF7A, s1;
	s8 =	simm.s32 @!p0 $0x1BF5;
	p2 =	por !p2, p0  }
0x20: {  	[sflag:s8] =	ssyncset.s32 @!p0 $0xFFFFF086;
	s6 =	sadd.s32 @!p0 s3, s7;
	s7 =	simm.s32 @!p0 $0x108  }
0x21: {  	s3 =	sadd.s32 s3, s9;
	s6 =	sadd.s32 @!p0 $0x88, s6;
	s7 =	simm.s32 @p2 $0x1082  }
0x22: {  	[simem:s7], [sflag:s8] =	dma.local @!p0 [hbm:s6], $0xF7A  }
0x23: {  	s9 =	sor.u32 $0xD0000000, s2;
	s6 =	simm.s32 $0x108;
	_ =	swait.ge @!p0 [sflag:s8], $0x0  }
0x24: {  	s3 =	sadd.s32 $0x88, s3;
	s6 =	simm.s32 @!p1 $0x1082;
	[sflag:s4] =	ssyncset.s32 $0xFFFFF086  }
0x25: {  	[simem:s6], [sflag:s4] =	dma.local [hbm:s3], $0xF7A  }
0x26: {  	[smem:$0x3F96] =	sst s1;
	(tag) =	ssettag s2;
	_ =	strace s9  }
0x27: {  	s1 =	sld [smem:$0x3FA6]  }
0x28: {  	s2 =	sld [smem:$0x3FA7]  }
0x29: {  	s4 =	sld [smem:$0x3FA9]  }
0x2a: {  	p0 =	seq.s32 s5, $0x0;
	s5 =	sld [smem:$0x3FAA]  }
0x2b: {  	s6 =	sld [smem:$0x3FAB]  }
0x2c: {  	s7 =	sld [smem:$0x3FAC]  }
0x2d: {  	s3 =	simm.s32 $0x108;
	s8 =	sld [smem:$0x3FAD]  }
0x2e: {  	s3 =	simm.s32 @!p0 $0x1082;
	s9 =	sld [smem:$0x3FAE]  }
0x2f: {  	lr =	sadd.s32 s0, s3;
	s0 =	sld [smem:$0x3FA5]  }
0x30: {  	s3 =	sld [smem:$0x3FA8]  }
0x31: {  	[smem:$0x3FB1] =	sst s10  }
0x32: {  	s10 =	sld [smem:$0x3FAF];
	_ =	sdelay $0x3  }
0x33: {  	p0 =	seq.s32 s10, $0x1;
	s10 =	sld [smem:$0x3FB1];
	_ =	sdelay $0x3  }
0x34: {  	[smem:$0x3FB1] =	sst s10  }
0x35: {  	s10 =	sld [smem:$0x3FB0];
	_ =	sdelay $0x3  }
0x36: {  	p1 =	seq.s32 s10, $0x1;
	s10 =	sld [smem:$0x3FB1];
	_ =	sdelay $0x3  }
0x37: {  	[smem:$0x3FB1] =	sst s10  }
0x38: {  	s10 =	sld [smem:$0x3FB2]  }
0x39: {  	_ = 	snop;
	(pc) =	sbr.ind lr, $3  }
0x3a: {  	_ = 	snop  }
0x3b: {  	_ = 	snop  }
0x3c: {  	p2 =	seq.s32 s10, $0x1;
	s10 =	sld [smem:$0x3FB1]  }
0x3d: {  	_ =	shalt  }
0x3e: {  	_ =	shalt  }
0x3f: {  	_ =	shalt  }
0x40: {  	_ =	shalt  }
0x41: {  	_ =	shalt  }
0x42: {  	_ =	shalt  }
0x43: {  	_ =	shalt  }
0x44: {  	_ =	shalt  }
0x45: {  	_ =	shalt  }
0x46: {  	_ =	shalt  }
0x47: {  	_ =	shalt  }
0x48: {  	_ =	shalt  }
0x49: {  	_ =	shalt  }
0x4a: {  	_ =	shalt  }
0x4b: {  	_ =	shalt  }
0x4c: {  	_ =	shalt  }
0x4d: {  	_ =	shalt  }
0x4e: {  	_ =	shalt  }
0x4f: {  	_ =	shalt  }
0x50: {  	_ =	shalt  }
0x51: {  	_ =	shalt  }
0x52: {  	_ =	shalt  }
0x53: {  	_ =	shalt  }
0x54: {  	_ =	shalt  }
0x55: {  	_ =	shalt  }
0x56: {  	_ =	shalt  }
0x57: {  	_ =	shalt  }
0x58: {  	_ =	shalt  }
0x59: {  	_ =	shalt  }
0x5a: {  	_ =	shalt  }
0x5b: {  	_ =	shalt  }
0x5c: {  	_ =	shalt  }
0x5d: {  	_ =	shalt  }
0x5e: {  	_ =	shalt  }
0x5f: {  	_ =	shalt  }
0x60: {  	_ =	shalt  }
0x61: {  	_ =	shalt  }
0x62: {  	_ =	shalt  }
0x63: {  	_ =	shalt  }
0x64: {  	_ =	shalt  }
0x65: {  	_ =	shalt  }
0x66: {  	_ =	shalt  }
0x67: {  	_ =	shalt  }
0x68: {  	_ =	shalt  }
0x69: {  	_ =	shalt  }
0x6a: {  	_ =	shalt  }
0x6b: {  	_ =	shalt  }
0x6c: {  	_ =	shalt  }
0x6d: {  	_ =	shalt  }
0x6e: {  	_ =	shalt  }
0x6f: {  	_ =	shalt  }
0x70: {  	_ =	shalt  }
0x71: {  	_ =	shalt  }
0x72: {  	_ =	shalt  }
0x73: {  	_ =	shalt  }
0x74: {  	_ =	shalt  }
0x75: {  	_ =	shalt  }
0x76: {  	_ =	shalt  }
0x77: {  	_ =	shalt  }
0x78: {  	_ =	shalt  }
0x79: {  	_ =	shalt  }
0x7a: {  	_ =	shalt  }
0x7b: {  	_ =	shalt  }
0x7c: {  	_ =	shalt  }
0x7d: {  	_ =	shalt  }
0x7e: {  	_ =	shalt  }
0x7f: {  	_ =	shalt  }
0x80: {  	_ =	shalt  }
0x81: {  	_ =	shalt  }
0x82: {  	_ =	shalt  }
0x83: {  	_ =	shalt  }
0x84: {  	_ =	shalt  }
0x85: {  	_ =	shalt  }
0x86: {  	_ =	shalt  }
0x87: {  	_ =	shalt  }
.Lfunc_end0:
.L_simem_size_0:
called_computation_lowered:
.L_overlay_start_0:
0x88: {  	s2 =	sld [smem:$0x3FD9]  }
0x89: {  	s3 =	sld [smem:$0x3FFE];
	_ =	sdelay $0x1  }
0x8a: {  	s1 =	srdreg.scid  }
0x8b: {  	s0 =	sand.u32 $0x1, s1  }
0x8c: {  	s14 =	sshll.u32 s0, $0xA;
	s2 =	sadd.s32 s3, s2  }
0x8d: {  	s2 =	sadd.s32 s2, s14  }
0x8e: {  	[smem:$0x3FBD] =	sst s2  }
0x8f: {  	_ = 	snop  }
0x90: {  	s2 =	sld [smem:$0x3FD0];
	_ =	sdelay $0x2  }
0x91: {  	s15 =	simm.s32 $0xA;
	s4 =	simm.s32 $0x10  }
0x92: {  	[smem:s4], [sflag:s15] =	dma.local [hbm:s2], $0x1  }
0x93: {  	_ =	swait.eq [sflag:s15], $0x1  }
0x94: {  	[sflag:s15] =	ssyncset.done $0x0  }
0x95: {  	[sflag:s15] =	ssyncadd.s32 $0xFFFFFFFF  }
0x96: {  	s16 =	sld [smem:$0x11];
	(tm) =	ssettm $0x1  }
0x97: {  	s17 =	sld [smem:$0x3FFB];
	_ =	sdelay $0x3  }
0x98: {  	_ =	strace s17  }
0x99: {  	s3 =	sld [smem:$0x3FFC];
	_ =	sdelay $0x3  }
0x9a: {  	_ =	strace s3  }
0x9b: {  	s3 =	sld [smem:$0x3FFD];
	_ =	sdelay $0x3  }
0x9c: {  	_ =	strace s3  }
0x9d: {  	_ =	strace $0x8FFFFFFF  }
0x9e: {  	s18 =	sld [smem:$0x3FDB];
	_ =	sdelay $0x1  }
0x9f: {  	s19 =	simm.s32 $_scs_section_size  }
0xa0: {  	s5 =	simm.s32 $_size__tile_overlayer_lowered;
	s6 =	simm.s32 $_tile_overlayer_lowered  }
0xa1: {  	s22 =	simm.s32 $0x1BFF;
	s21 =	sshll.u32 s6, $0x1;
	s3 =	sadd.s32 s19, s18  }
0xa2: {  	s7 =	simm.s32 $0x0;
	s20 =	sshll.u32 s5, $0x1;
	s5 =	sadd.s32 s21, s3  }
0xa3: {  	[timem:s7], [sflag:s22] =	dma.local [hbm:s5], s20  }
0xa4: {  	_ =	swait.ge [sflag:s22], s20  }
0xa5: {  	s4 =	ssub.s32 $0x0, s20;
	[sflag:s22] =	ssyncset.done $0x0  }
0xa6: {  	[sflag:s22] =	ssyncadd.s32 s4;
	_ =	sdelay $0x1  }
0xa7: {  	s23 =	simm.s32 $0x1B8B  }
0xa8: {  	_ =	swait.ge [sflag:s23], $0x1  }
0xa9: {  	[sflag:s23] =	ssyncset.done $0x0  }
0xaa: {  	s25 =	simm.s32 $0x1B8E;
	s24 =	sld [smem:$0x3FFE];
	[sflag:s23] =	ssyncadd.s32 $0xFFFFFFFF  }
0xab: {  	s26 =	simm.s32 $execute0_lowered;
	[smem:$0x3FD2] =	sst s25  }
0xac: {  	s5 =	sshll.u32 s26, $0x1;
	_ =	strace $0x80000046;
	[dreg:$0x1] =	wrdreg $0xFFFFFFFF  }
0xad: {  	s28 =	simm.s32 $_size_execute0_lowered;
	s3 =	sadd.s32 s3, s5;
	[dreg:$0x0] =	wrdreg $0x0  }
0xae: {  	s5 =	sshll.u32 s28, $0x1;
	[dreg:$0x2] =	wrdreg s3  }
0xaf: {  	[dreg:$0x3] =	wrdreg s5  }
0xb0: {  	[dreg:$0x4] =	wrdreg $0xC0  }
0xb1: {  	_ =	task [dreg:s7], $0x5FFFF  }
0xb2: {  	[dreg:$0x1] =	wrdreg $0xFFFFFFFF  }
0xb3: {  	[dreg:$0x0] =	wrdreg $0x60  }
0xb4: {  	[dreg:$0x2] =	wrdreg s16  }
0xb5: {  	[dreg:$0x3] =	wrdreg s24  }
0xb6: {  	[dreg:$0x4] =	wrdreg $0x53000  }
0xb7: {  	[dreg:$0x5] =	wrdreg $0x55800  }
0xb8: {  	[dreg:$0x6] =	wrdreg $0x9  }
0xb9: {  	_ =	task.clear_ibuf [dreg:s7], $0x7FFFF;
	_ =	strace $0x90000046  }
0xba: {  	s29 =	simm.s32 $0x9;
	_ =	strace $0x80000048  }
0xbb: {  	_ =	swait.ge [sflag:s29], $0x1  }
0xbc: {  	[sflag:s29] =	ssyncadd.s32 $0xFFFFFFFF  }
0xbd: {  	_ =	strace $0x90000048  }
0xbe: {  	_ =	sfence  }
0xbf: {  	s30 =	sld [smem:$0x0];
	_ =	sdelay $0x2  }
0xc0: {  	s31 =	sshll.u32 s1, $0xD;
	s1 =	sshrl.u32 s1, $0x2  }
0xc1: {  	s3 =	sand.u32 $0x4000, s31;
	s1 =	sadd.s32 s1, s30  }
0xc2: {  	s0 =	sor.u32 s3, s0;
	s1 =	sshll.u32 s1, $0x11  }
0xc3: {  	s0 =	sor.u32 s1, s0  }
0xc4: {  	s0 =	sadd.s32 $0x8F2B, s0  }
0xc5: {  	[sflag:s0] =	ssyncadd.remote.s32 $0x1  }
0xc6: {  	_ =	sfence.sel $0xFFFF  }
0xc7: {  	[dreg:$0x0] =	wrdreg $0xFFFFFFFF;
	(pc) =	sbr.abs _section_cstart, $3  }
0xc8: {  	[dreg:$0x1] =	wrdreg $0xFFFFFFFF  }
0xc9: {  	_ =	task.clear_ibuf [dreg:s7], $0x2FFFF;
	_ =	strace $0x9FFFFFFF  }
0xca: {  	(tm) =	ssettm $0x7FFFFFFF  }
0xcb: {  	_ =	shalt  }
tec
execute0_lowered:
.L_overlay_start_1:
0x0: {  	(tag) =	ssettag $0x1  }
0x1: {  	s8 =	rddreg [dreg:$0x0]  }
0x2: {  	s6 =	rddreg [dreg:$0x1]  }
0x3: {  	s1 =	rddreg [dreg:$0x2]  }
0x4: {  	s2 =	rddreg [dreg:$0x3]  }
0x5: {  	s0 =	rddreg [dreg:$0x4];
	s4 =	simm.s32 $0x0;
	s5 =	srdreg.scid  }
0x6: {  	s3 =	stileid.u32;
	s15 =	simm.s32 $0x1400;
	s16 =	simm.s32 $0x5280  }
0x7: {  	s17 =	simm.s32 $0x80;
	s20 =	simm.s32 $0x20;
	s21 =	simm.s32 $0x10  }
0x8: {  	s22 =	simm.s32 $0x0;
	[smem:$0x7FF] =	sst s4;
	s9 =	smul.u32 $0x500, s3  }
0x9: {  	s7 =	sand.u32 $0x1, s5;
	s5 =	sadd.s32 $0x1C00, s6;
	s12 =	smul.u32 $0x280, s3  }
0xa: {  	s18 =	sshll.u32 s3, $0x6;
	_ =	strace $0x80000047;
	s10 =	sshll.u32 s7, $0x4  }
0xb: {  	s11 =	sshll.u32 s7, $0x7;
	s7 =	ssub.s32 $0x2, s7;
	s18 =	sor.u32 $0x1C01, s18  }
0xc: {  	s10 =	sor.u32 s3, s10;
	s9 =	sor.u32 s11, s9;
	s30 =	sshrl.u32 s7, $0x1  }
0xd: {  	s10 =	smul.u32 $0x1400, s10;
	s9 =	sshrl.u32 s9, $0x3;
	s14 =	ssub.s32 s7, s30  }
0xe: {  	s7 =	sadd.s32 s12, s2;
	s13 =	sadd.s32 s9, s6;
	s6 =	sadd.s32 s12, s1  }
0xf: {  	s12 =	smax.u32 s14, $0x1;
	s14 =	simm.s32 $0x1;
	s31 =	sshrl.u32 s10, $0x3  }
0x10: {  	s10 =	sadd.s32 $0x1E00, s13;
	s11 =	sadd.s32 $0x2800, s13;
	s8 =	sadd.s32 s8, s31  }
0x11: {  	v0 =	vimm.f32 $0.0e+00;
	v1 =	vimm.f32 $1.000000000e+00;
	s13 =	simm.s32 $0x5000;
	s19 =	sshrl.u32 s6, $0x3;
	s9 =	sadd.s32 $0x5000, s8  }
.LBB2_1:
0x12: {  	[tilespmem:$0x5000] =	vst v0  }
0x13: {  	[tilespmem:$0x5010] =	vst v0  }
0x14: {  	[tilespmem:$0x5020] =	vst v0  }
0x15: {  	[tilespmem:$0x5030] =	vst v0  }
0x16: {  	[tilespmem:$0x5040] =	vst v0  }
0x17: {  	[tilespmem:$0x5050] =	vst v0  }
0x18: {  	[tilespmem:$0x5060] =	vst v0  }
0x19: {  	[tilespmem:$0x5070] =	vst v0  }
0x1a: {  	[tilespmem:$0x5080] =	vst v0  }
0x1b: {  	[tilespmem:$0x5090] =	vst v0  }
0x1c: {  	[tilespmem:$0x50A0] =	vst v0  }
0x1d: {  	[tilespmem:$0x50B0] =	vst v0  }
0x1e: {  	[tilespmem:$0x50C0] =	vst v0  }
0x1f: {  	[tilespmem:$0x50D0] =	vst v0  }
0x20: {  	[tilespmem:$0x50E0] =	vst v0  }
0x21: {  	[tilespmem:$0x50F0] =	vst v0  }
0x22: {  	[tilespmem:$0x5100] =	vst v0  }
0x23: {  	[tilespmem:$0x5110] =	vst v0  }
0x24: {  	[tilespmem:$0x5120] =	vst v0  }
0x25: {  	[tilespmem:$0x5130] =	vst v0  }
0x26: {  	[tilespmem:$0x5140] =	vst v0  }
0x27: {  	[tilespmem:$0x5150] =	vst v0  }
0x28: {  	[tilespmem:$0x5160] =	vst v0  }
0x29: {  	[tilespmem:$0x5170] =	vst v0  }
0x2a: {  	[tilespmem:$0x5180] =	vst v0  }
0x2b: {  	[tilespmem:$0x5190] =	vst v0  }
0x2c: {  	[tilespmem:$0x51A0] =	vst v0  }
0x2d: {  	[tilespmem:$0x51B0] =	vst v0  }
0x2e: {  	[tilespmem:$0x51C0] =	vst v0  }
0x2f: {  	[tilespmem:$0x51D0] =	vst v0  }
0x30: {  	[tilespmem:$0x51E0] =	vst v0  }
0x31: {  	[tilespmem:$0x51F0] =	vst v0  }
0x32: {  	[tilespmem:$0x5200] =	vst v0  }
0x33: {  	[tilespmem:$0x5210] =	vst v0  }
0x34: {  	[tilespmem:$0x5220] =	vst v0  }
0x35: {  	[tilespmem:$0x5230] =	vst v0  }
0x36: {  	[tilespmem:$0x5240] =	vst v0  }
0x37: {  	[tilespmem:$0x5250] =	vst v0  }
0x38: {  	[tilespmem:$0x5260] =	vst v0  }
0x39: {  	[tilespmem:$0x5270] =	vst v0  }
0x3a: {  	[spmem:s6] =	stream.linear.scatter [tilespmem:s13], [sflag:$0x1], $0x280, $0x38;
	[tilespmem:$0x5800] =	vst v63  }
0x3b: {  	_ =	swait.ge [sflag:s14], $0x280  }
0x3c: {  	[sflag:s14] =	ssyncset.done $0x0  }
0x3d: {  	[sflag:s14] =	ssyncadd.s32 $0xFFFFFD80  }
0x3e: {  	[spmem:s7] =	stream.linear.scatter [tilespmem:s13], [sflag:$0x1], $0x280, $0x38;
	[tilespmem:$0x5800] =	vst v63  }
0x3f: {  	_ =	swait.ge [sflag:s14], $0x280  }
0x40: {  	[sflag:s14] =	ssyncset.done $0x0  }
0x41: {  	[sflag:s14] =	ssyncadd.s32 $0xFFFFFD80  }
0x42: {  	[tilespmem:s4], [sflag:$0x1] =	stream.linear.gather [hbm4b:s8+s4], $0x1400, $0x38;
	[tilespmem:$0x5800] =	vst v63  }
0x43: {  	_ =	swait.ge [sflag:s14], $0x1400  }
0x44: {  	[sflag:s14] =	ssyncset.done $0x0  }
0x45: {  	[sflag:s14] =	ssyncadd.s32 $0xFFFFEC00  }
0x46: {  	[tilespmem:s15], [sflag:$0x1] =	stream.linear.gather [hbm4b:s9+s4], $0x1400, $0x38;
	[tilespmem:$0x5800] =	vst v63  }
0x47: {  	_ =	swait.ge [sflag:s14], $0x1400  }
0x48: {  	[sflag:s14] =	ssyncset.done $0x0  }
0x49: {  	[sflag:s14] =	ssyncadd.s32 $0xFFFFEC00  }
0x4a: {  	[tilespmem:s16], [sflag:$0x1] =	stream.linear.gather [hbm4b:s5+s4], $0x80, $0x38;
	[tilespmem:$0x5800] =	vst v63  }
0x4b: {  	_ =	swait.ge [sflag:s14], $0x80  }
0x4c: {  	[sflag:s14] =	ssyncset.done $0x0  }
0x4d: {  	[sflag:s14] =	ssyncadd.s32 $0xFFFFFF80  }
0x4e: {  	s23 =	simm.s32 $0x0;
	v2 =	vld [tilespmem:$0x5280]  }
0x4f: {  	v3 =	vld [tilespmem:s23+$0x1400]  }
0x50: {  	s24 =	simm.s32 $0x40;
	[tilespmem:s23+$0x2800] =	vst v1  }
.LBB2_2:
0x51: {  	p0 =	sne.s32 s24, $0x4FC0  }
.Ltmp0:
0x52: {  	_ = 	snop;
	(pc) =	sbr.rel @p0 .LBB2_2-.Ltmp0, $4  }
0x53: {  	_ = 	snop  }
0x54: {  	s25 =	sshra.s32 s24, $0x2;
	s24 =	sadd.s32 $0x40, s24;
	vm0 =	veq.s32 v3, v2  }
0x55: {  	v3 =	vld [tilespmem:s25+$0x1400];
	[tilespmem:s25+$0x2800] =	vst v1;
	v4 =	vsel vm0, $0x3F800000, v0  }
0x56: {  	[tilespmem:s23+$0x3C00] =	vst v4;
	s23 =	smov.u32 s25  }
0x57: {  	_ =	sdelay $0x2  }
0x58: {  	vm0 =	veq.s32 v3, v2  }
0x59: {  	v2 =	vsel vm0, $0x3F800000, v0  }
0x5a: {  	[tilespmem:s23+$0x3C00] =	vst v2  }
0x5b: {  	s29 =	simm.s32 $0x2800;
	s24 =	simm.s32 $0x1400;
	[bflag:$0x0] =	sbarrier.arrive $0xFFFF  }
0x5c: {  	[spmem:s1] =	stream.indirect.scatter.add.f32 [tilespmem:s29], [sflag:$0x1], $0x1, s24, s17, $0xb8;
	[tilespmem:$0x5800] =	vst v63  }
0x5d: {  	_ =	swait.ge [sflag:s14], $0x80  }
0x5e: {  	[sflag:s14] =	ssyncset.done $0x0  }
0x5f: {  	s30 =	simm.s32 $0x0;
	s31 =	simm.s32 $0x3C00;
	[sflag:s14] =	ssyncadd.s32 $0xFFFFFF80  }
0x60: {  	[spmem:s2] =	stream.indirect.scatter.add.f32 [tilespmem:s31], [sflag:$0x1], $0x1, s30, s17, $0xb8;
	[tilespmem:$0x5800] =	vst v63  }
0x61: {  	_ =	swait.ge [sflag:s14], $0x80  }
0x62: {  	s23 =	simm.s32 $0x80;
	s24 =	simm.s32 $0x400;
	[sflag:s14] =	ssyncset.done $0x0  }
.LBB2_4:
0x63: {  	s25 =	sadd.s32 $0x2800, s23  }
0x64: {  	s26 =	sadd.s32 $0x1400, s23;
	[sflag:s14] =	ssyncadd.s32 $0xFFFFFF80;
	s28 =	smov.u32 s24  }
0x65: {  	[spmem:s1] =	stream.indirect.scatter.add.f32 [tilespmem:s25], [sflag:$0x1], $0x1, s26, s17, $0xb8;
	[tilespmem:$0x5800] =	vst v63  }
0x66: {  	p0 =	sne.s32 s24, $0x4E00;
	s24 =	sadd.s32 $0x200, s24;
	_ =	swait.ge [sflag:s14], $0x80  }
.Ltmp1:
0x67: {  	[sflag:s14] =	ssyncset.done $0x0;
	(pc) =	sbr.rel @p0 .LBB2_4-.Ltmp1, $4  }
0x68: {  	s25 =	sadd.s32 $0x3C00, s23;
	[sflag:s14] =	ssyncadd.s32 $0xFFFFFF80  }
0x69: {  	[spmem:s2] =	stream.indirect.scatter.add.f32 [tilespmem:s25], [sflag:$0x1], $0x1, s23, s17, $0xb8;
	[tilespmem:$0x5800] =	vst v63  }
0x6a: {  	_ =	swait.ge [sflag:s14], $0x80  }
0x6b: {  	s23 =	sshra.s32 s28, $0x2;
	[sflag:s14] =	ssyncset.done $0x0  }
0x6c: {  	s24 =	sadd.s32 $0x2800, s23;
	s25 =	sadd.s32 $0x1400, s23;
	[sflag:s14] =	ssyncadd.s32 $0xFFFFFF80  }
0x6d: {  	[spmem:s1] =	stream.indirect.scatter.add.f32 [tilespmem:s24], [sflag:$0x1], $0x1, s25, s17, $0xb8;
	[tilespmem:$0x5800] =	vst v63  }
0x6e: {  	_ =	swait.ge [sflag:s14], $0x80  }
0x6f: {  	[sflag:s14] =	ssyncset.done $0x0  }
0x70: {  	s30 =	sadd.s32 $0x3C00, s23;
	[sflag:s14] =	ssyncadd.s32 $0xFFFFFF80  }
0x71: {  	[spmem:s2] =	stream.indirect.scatter.add.f32 [tilespmem:s30], [sflag:$0x1], $0x1, s23, s17, $0xb8;
	[tilespmem:$0x5800] =	vst v63  }
0x72: {  	_ =	swait.ge [sflag:s14], $0x80  }
0x73: {  	[sflag:s14] =	ssyncset.done $0x0  }
0x74: {  	[sflag:s14] =	ssyncadd.s32 $0xFFFFFF80  }
0x75: {  	[bflag:$0x0] =	sbarrier.arrive $0xFFFF  }
0x76: {  	[hbm:s10@s20], [sflag:s18] =	dma.strided [spmem:s19@s21], $0x50, s14, $0x10   }
0x77: {  	s22 =	sadd.s32 $0x1, s22;
	_ =	swait.ge [sflag:s14], $0x50  }
0x78: {  	p0 =	sne.s32 s22, s12;
	[sflag:s14] =	ssyncset.done $0x0  }
.Ltmp2:
0x79: {  	s31 =	sshrl.u32 s7, $0x3;
	[sflag:s14] =	ssyncadd.s32 $0xFFFFFFB0;
	(pc) =	sbr.rel @p0 .LBB2_1-.Ltmp2, $4  }
0x7a: {  	[hbm:s11@s20], [sflag:s18] =	dma.strided [spmem:s31@s21], $0x50, s14, $0x10   }
0x7b: {  	_ =	swait.ge [sflag:s14], $0x50  }
0x7c: {  	[sflag:s14] =	ssyncset.done $0x0  }
0x7d: {  	[sflag:s14] =	ssyncadd.s32 $0xFFFFFFB0  }
0x7e: {  	_ =	sfence.sel $0x180000  }
0x7f: {  	[bflag:$0x0] =	sbarrier.arrive $0xFFFF  }
0x80: {  	p0 =	sne.s32 s3, $0x0;
	_ =	strace $0x90000047  }
0x81: {  	s0 =	sadd.s32 @!p0 $0x100000, s0;
	[bflag:$0x2] =	sbarrier.arrive $0xFFFF  }
0x82: {  	[sflag:s0] =	ssyncadd.tile.s32 @!p0 $0x1;
	_ =	shalt  }
.Lfunc_end2:
_tile_overlayer_lowered:
.L_overlay_start_2:
0x83: {  	(tag) =	ssettag $0x2  }
0x84: {  	s0 =	rddreg [dreg:$0x0];
	s2 =	stileid.u32  }
0x85: {  	s1 =	rddreg [dreg:$0x1];
	p0 =	sne.s32 s2, $0x0  }
0x86: {  	s3 =	rddreg [dreg:$0x2];
	[bflag:$0x3] =	sbarrier.arrive $0xFFFF;
	s2 =	simm.s32 @!p0 $0x1C01  }
0x87: {  	[timem:s3], [sflag:s2] =	dma.local @!p0 [hbm:s0], s1  }
0x88: {  	s0 =	simm.s32 @!p0 $0x1  }
0x89: {  	_ =	swait.ge @!p0 [sflag:s0], s1  }
0x8a: {  	s1 =	ssub.s32 @!p0 $0x0, s1;
	[sflag:s0] =	ssyncset.done @!p0 $0x0  }
0x8b: {  	[sflag:s0] =	ssyncadd.s32 @!p0 s1  }
0x8c: {  	[bflag:$0x3] =	sbarrier.arrive $0xFFFF  }
0x8d: {  	_ =	shalt  }

</sc_bundles>
